<compile_context>
chip_gen: v7x
topology: tpu7x:2x2x1
jax: 0.10.2.dev20260603
libtpu: 0.0.44.dev20260713+nightly
codegen_flags: <defaults>
</compile_context>

<pallas_src>
import dataclasses

import jax
import jax.numpy as jnp
from jax import lax
from jax.experimental import pallas as pl
from jax.experimental.pallas import tpu as pltpu
from jax.experimental.pallas import tpu_sc as plsc

N = 10000
E = 320000
D = 128
G = 128
C = 10

NUM_CORES = 2
NUM_SUBCORES = 16
NW = NUM_CORES * NUM_SUBCORES
CHUNK = 128
TAIL = 16
N_PAD = 10240
ROWS_PER_SUB = N_PAD // NUM_SUBCORES
BLOCKS_PER_SUB = ROWS_PER_SUB // CHUNK
EPW = E // NW
NFULL = EPW // CHUNK
NQ = (NFULL - 2) // 4
LANES = 16


def _sc_body(ei_hbm, feat_hbm, zf_hbm, zd_hbm,
             agg_out, deg_out,
             isrc0, isrc1, isrc2, isrc3, idst0, idst1, idst2, idst3,
             isrct, idstt, rows0, rows1, rowst, deg_v, agg_sh,
             isem, gsem0, gsem1, ssem0, ssem1):
    c = lax.axis_index("c")
    s = lax.axis_index("s")
    wid = c * NUM_SUBCORES + s
    r0 = s * ROWS_PER_SUB
    out0 = c * N_PAD + r0
    ebase = wid * EPW

    pltpu.sync_copy(zf_hbm, rows0)
    pltpu.sync_copy(zd_hbm, deg_v)

    @pl.loop(0, BLOCKS_PER_SUB)
    def _(b):
        pltpu.sync_copy(rows0, agg_sh.at[pl.ds(r0 + b * CHUNK, CHUNK)])

    plsc.subcore_barrier()

    ones16 = jnp.ones((LANES,), jnp.float32)

    def hist(idst):
        @pl.loop(0, CHUNK, step=LANES)
        def _(j):
            plsc.addupdate_scatter(deg_v, [idst[pl.ds(j, LANES)]], ones16)

    def idx_fetch(ci, isrc, idst):
        base = jnp.minimum(ebase + ci * CHUNK, E - CHUNK)
        pltpu.async_copy(ei_hbm.at[pl.ds(base, CHUNK)], isrc, isem)
        pltpu.async_copy(ei_hbm.at[pl.ds(E + base, CHUNK)], idst, isem)

    def idx_wait(ci, isrc, idst):
        base = jnp.minimum(ebase + ci * CHUNK, E - CHUNK)
        pltpu.make_async_copy(ei_hbm.at[pl.ds(base, CHUNK)], isrc,
                              isem).wait()
        pltpu.make_async_copy(ei_hbm.at[pl.ds(E + base, CHUNK)], idst,
                              isem).wait()

    def gather(isrc, rows, sem):
        pltpu.async_copy(feat_hbm.at[isrc], rows, sem)

    def gather_wait(isrc, rows, sem):
        pltpu.make_async_copy(feat_hbm.at[isrc], rows, sem).wait()

    def scatter(idst, rows, sem):
        pltpu.async_copy(rows, agg_sh.at[idst], sem, add=True)

    def scatter_wait(idst, rows, sem):
        pltpu.make_async_copy(rows, agg_sh.at[idst], sem).wait()

    idx_fetch(0, isrc0, idst0)
    idx_fetch(1, isrc1, idst1)
    idx_fetch(2, isrc2, idst2)
    idx_fetch(3, isrc3, idst3)
    idx_wait(0, isrc0, idst0)
    idx_wait(1, isrc1, idst1)
    idx_wait(2, isrc2, idst2)
    idx_wait(3, isrc3, idst3)
    gather(isrc0, rows0, gsem0)

    @pl.loop(0, NQ)
    def _(q):
        b = 4 * q
        nb = jnp.minimum(b + 4, NFULL - 2)
        gather_wait(isrc0, rows0, gsem0)
        gather(isrc1, rows1, gsem1)
        scatter(idst0, rows0, ssem0)
        hist(idst0)
        scatter_wait(idst0, rows0, ssem0)
        gather_wait(isrc1, rows1, gsem1)
        gather(isrc2, rows0, gsem0)
        scatter(idst1, rows1, ssem1)
        hist(idst1)
        scatter_wait(idst1, rows1, ssem1)
        idx_fetch(nb + 0, isrc0, idst0)
        idx_fetch(nb + 1, isrc1, idst1)
        gather_wait(isrc2, rows0, gsem0)
        gather(isrc3, rows1, gsem1)
        scatter(idst2, rows0, ssem0)
        hist(idst2)
        scatter_wait(idst2, rows0, ssem0)
        gather_wait(isrc3, rows1, gsem1)
        idx_fetch(nb + 2, isrc2, idst2)
        scatter(idst3, rows1, ssem1)
        hist(idst3)
        scatter_wait(idst3, rows1, ssem1)
        idx_fetch(nb + 3, isrc3, idst3)
        idx_wait(nb + 0, isrc0, idst0)
        idx_wait(nb + 1, isrc1, idst1)
        idx_wait(nb + 2, isrc2, idst2)
        idx_wait(nb + 3, isrc3, idst3)
        gather(isrc0, rows0, gsem0)

    tbase = ebase + NFULL * CHUNK
    pltpu.sync_copy(ei_hbm.at[pl.ds(tbase, TAIL)], isrct)
    pltpu.sync_copy(ei_hbm.at[pl.ds(E + tbase, TAIL)], idstt)
    gather_wait(isrc0, rows0, gsem0)
    gather(isrc1, rows1, gsem1)
    pltpu.async_copy(feat_hbm.at[isrct], rowst, isem)
    scatter(idst0, rows0, ssem0)
    hist(idst0)
    scatter_wait(idst0, rows0, ssem0)
    gather_wait(isrc1, rows1, gsem1)
    scatter(idst1, rows1, ssem1)
    hist(idst1)
    scatter_wait(idst1, rows1, ssem1)
    pltpu.make_async_copy(feat_hbm.at[isrct], rowst, isem).wait()
    pltpu.sync_copy(rowst, agg_sh.at[idstt], add=True)
    plsc.addupdate_scatter(deg_v, [idstt[...]], ones16)

    plsc.subcore_barrier()

    @pl.loop(0, BLOCKS_PER_SUB)
    def _(b):
        pltpu.sync_copy(agg_sh.at[pl.ds(r0 + b * CHUNK, CHUNK)], rows0)
        pltpu.sync_copy(rows0, agg_out.at[pl.ds(out0 + b * CHUNK, CHUNK)])

    pltpu.sync_copy(deg_v, deg_out.at[pl.ds(wid * N_PAD, N_PAD)])


def _sc_segment_sum(ei_flat, features, zeros_feat, zeros_deg):
    mesh = plsc.VectorSubcoreMesh(core_axis_name="c", subcore_axis_name="s")
    cp = pltpu.CompilerParams()
    if "needs_layout_passes" in pltpu.CompilerParams.__dataclass_fields__:
        cp = dataclasses.replace(cp, needs_layout_passes=False)
    kern = pl.kernel(
        _sc_body,
        compiler_params=cp,
        out_type=(
            jax.ShapeDtypeStruct((NUM_CORES * N_PAD, D), jnp.float32),
            jax.ShapeDtypeStruct((NW * N_PAD,), jnp.float32),
        ),
        mesh=mesh,
        scratch_types=[
            pltpu.VMEM((CHUNK,), jnp.int32),
            pltpu.VMEM((CHUNK,), jnp.int32),
            pltpu.VMEM((CHUNK,), jnp.int32),
            pltpu.VMEM((CHUNK,), jnp.int32),
            pltpu.VMEM((CHUNK,), jnp.int32),
            pltpu.VMEM((CHUNK,), jnp.int32),
            pltpu.VMEM((CHUNK,), jnp.int32),
            pltpu.VMEM((CHUNK,), jnp.int32),
            pltpu.VMEM((TAIL,), jnp.int32),
            pltpu.VMEM((TAIL,), jnp.int32),
            pltpu.VMEM((CHUNK, D), jnp.float32),
            pltpu.VMEM((CHUNK, D), jnp.float32),
            pltpu.VMEM((TAIL, D), jnp.float32),
            pltpu.VMEM((N_PAD,), jnp.float32),
            pltpu.VMEM_SHARED((N_PAD, D), jnp.float32),
            pltpu.SemaphoreType.DMA,
            pltpu.SemaphoreType.DMA,
            pltpu.SemaphoreType.DMA,
            pltpu.SemaphoreType.DMA,
            pltpu.SemaphoreType.DMA,
        ],
    )
    return kern(ei_flat, features, zeros_feat, zeros_deg)


def _tc_body(feat, agg2, degw, batch_row, ws, wn, wc, bc,
             scores_out, gemb_out):
    agg = agg2[0:N, :] + agg2[N_PAD:N_PAD + N, :]
    ones_w = jnp.ones((NW, 1), jnp.float32)
    degw2 = degw[...].reshape(NW, N_PAD)
    deg = lax.dot_general(degw2[:, 0:N], ones_w, (((0,), (0,)), ((), ())),
                          preferred_element_type=jnp.float32)
    mean = agg / jnp.maximum(deg, 1.0)
    h = jnp.dot(feat[...], ws[...], preferred_element_type=jnp.float32)
    h = h + jnp.dot(mean, wn[...], preferred_element_type=jnp.float32)
    emb = jnp.maximum(h, 0.0)
    iota_g = lax.broadcasted_iota(jnp.int32, (G, N), 0)
    onehot_t = (batch_row[...] == iota_g).astype(jnp.float32)
    gemb = jnp.dot(onehot_t, emb, preferred_element_type=jnp.float32)
    gemb_out[...] = gemb
    scores_out[...] = jnp.dot(gemb, wc[...],
                              preferred_element_type=jnp.float32) + bc[...]


def kernel(features, edge_index, batch, W_self, W_neigh, W_cls, b_cls):
    ei_flat = edge_index.astype(jnp.int32).reshape(2 * E)
    zeros_feat = jnp.zeros((CHUNK, D), jnp.float32)
    zeros_deg = jnp.zeros((N_PAD,), jnp.float32)

    agg2, degw = _sc_segment_sum(ei_flat, features, zeros_feat, zeros_deg)

    batch_row = batch.astype(jnp.int32).reshape(1, N)
    scores, gemb = pl.pallas_call(
        _tc_body,
        out_shape=(
            jax.ShapeDtypeStruct((G, C), jnp.float32),
            jax.ShapeDtypeStruct((G, D), jnp.float32),
        ),
    )(features, agg2, degw, batch_row, W_self, W_neigh,
      W_cls, b_cls.reshape(1, C))
    return (scores, gemb)

# --- scband reference (transcript-rebuilt; emitter-appended) ---
"""Pipeline reference for scband-supervised-graph-sage-34557306863779 (READ-ONLY COPY).

The authoritative reference and input builder live on the scoring server;
editing this copy changes nothing except your own understanding.
"""

import jax, jax.numpy as jnp
import numpy as np

N_NODES = 10000
N_EDGES = 320000
D_FEAT = 128
EMBED_DIM = 128
NUM_CLASSES = 10
NUM_GRAPHS = 128


def setup_inputs(seed: int = 0) -> dict:
    key = jax.random.key(seed)
    k1, k2, k3, k4, k5, k6 = jax.random.split(key, 6)
    features = jax.random.normal(k1, (N_NODES, D_FEAT), dtype=jnp.float32)
    edge_index = jax.random.randint(k2, (2, N_EDGES), 0, N_NODES)
    batch = jnp.sort(jax.random.randint(k3, (N_NODES,), 0, NUM_GRAPHS))
    # GraphSAGE (mean aggregator) layer parameters
    W_self = jax.random.normal(k4, (D_FEAT, EMBED_DIM), dtype=jnp.float32) * 0.05
    W_neigh = jax.random.normal(k5, (D_FEAT, EMBED_DIM), dtype=jnp.float32) * 0.05
    # graph classifier (xavier-like init)
    W_cls = jax.random.normal(k6, (EMBED_DIM, NUM_CLASSES), dtype=jnp.float32) * 0.1
    b_cls = jnp.zeros((NUM_CLASSES,), dtype=jnp.float32)
    return {"features": features, "edge_index": edge_index, "batch": batch,
            "W_self": W_self, "W_neigh": W_neigh, "W_cls": W_cls, "b_cls": b_cls}


def reference(features, edge_index, batch, W_self, W_neigh, W_cls, b_cls):
    src = edge_index[0]
    dst = edge_index[1]
    # gather source-node features along edges, scatter-add into destination nodes
    msgs = jnp.take(features, src, axis=0)                       # [E, d]
    agg = jax.ops.segment_sum(msgs, dst, num_segments=N_NODES)   # [N, d]
    deg = jax.ops.segment_sum(jnp.ones((N_EDGES,), dtype=jnp.float32), dst,
                              num_segments=N_NODES)              # [N]
    neigh_mean = agg / jnp.clip(deg, 1.0)[:, None]
    # GraphSAGE mean-aggregator update: h = relu(W_self x + W_neigh mean(neighbors))
    embeds = jax.nn.relu(features @ W_self + neigh_mean @ W_neigh)  # [N, embed_dim]
    # global_add_pool readout over graphs in the batch
    graph_embeds = jax.ops.segment_sum(embeds, batch, num_segments=NUM_GRAPHS)  # [G, embed_dim]
    scores = graph_embeds @ W_cls + b_cls                        # [G, num_classes]
    return (scores, graph_embeds)

if __name__ == "__main__":
    import jax
    _d = setup_inputs()
    print(jax.jit(kernel)(*tuple(_d.values())))

</pallas_src>

<mosaic_0001>
#map = affine_map<(d0, d1) -> (0)>
#map1 = affine_map<(d0, d1) -> (0, 0)>
module attributes {stable_mosaic.version = 14 : i64} {
  func.func @_sc_body(%arg0: i32, %arg1: i32, %arg2: memref<640000xi32, #tpu.memory_space<hbm>>, %arg3: memref<10000x128xf32, #tpu.memory_space<hbm>>, %arg4: memref<128x128xf32, #tpu.memory_space<hbm>>, %arg5: memref<10240xf32, #tpu.memory_space<hbm>>, %arg6: memref<20480x128xf32, #tpu.memory_space<hbm>>, %arg7: memref<327680xf32, #tpu.memory_space<hbm>>, %arg8: memref<128xi32, #tpu.memory_space<vmem>>, %arg9: memref<128xi32, #tpu.memory_space<vmem>>, %arg10: memref<128xi32, #tpu.memory_space<vmem>>, %arg11: memref<128xi32, #tpu.memory_space<vmem>>, %arg12: memref<128xi32, #tpu.memory_space<vmem>>, %arg13: memref<128xi32, #tpu.memory_space<vmem>>, %arg14: memref<128xi32, #tpu.memory_space<vmem>>, %arg15: memref<128xi32, #tpu.memory_space<vmem>>, %arg16: memref<16xi32, #tpu.memory_space<vmem>>, %arg17: memref<16xi32, #tpu.memory_space<vmem>>, %arg18: memref<128x128xf32, #tpu.memory_space<vmem>>, %arg19: memref<128x128xf32, #tpu.memory_space<vmem>>, %arg20: memref<16x128xf32, #tpu.memory_space<vmem>>, %arg21: memref<10240xf32, #tpu.memory_space<vmem>>, %arg22: memref<10240x128xf32, #tpu.memory_space<vmem_shared>>, %arg23: memref<!tpu.dma_semaphore, #tpu.memory_space<semaphore_mem>>, %arg24: memref<!tpu.dma_semaphore, #tpu.memory_space<semaphore_mem>>, %arg25: memref<!tpu.dma_semaphore, #tpu.memory_space<semaphore_mem>>, %arg26: memref<!tpu.dma_semaphore, #tpu.memory_space<semaphore_mem>>, %arg27: memref<!tpu.dma_semaphore, #tpu.memory_space<semaphore_mem>>) attributes {dimension_semantics = [#tpu.dimension_semantics<core_parallel>, #tpu.dimension_semantics<subcore_parallel>], iteration_bounds = array<i64: 2, 16>, scalar_prefetch = 0 : i64, scratch_operands = 20 : i64, tpu.core_type = #tpu.core_type<sc_vector_subcore>, window_params = [{transform_indices = #map}, {transform_indices = #map1}, {transform_indices = #map1}, {transform_indices = #map}, {transform_indices = #map1}, {transform_indices = #map}]} {
    %mul3A = arith.constant 16 : i32
    %mul3A_0 = arith.muli %arg0, %mul3A : i32
    %add3A = arith.addi %mul3A_0, %arg1 : i32
    %mul3A_1 = arith.constant 640 : i32
    %mul3A_2 = arith.muli %arg1, %mul3A_1 : i32
    %mul3A_3 = arith.constant 10240 : i32
    %mul3A_4 = arith.muli %arg0, %mul3A_3 : i32
    %add3A_5 = arith.addi %mul3A_4, %mul3A_2 : i32
    %mul3A_6 = arith.constant 10000 : i32
    %mul3A_7 = arith.muli %add3A, %mul3A_6 : i32
    "tpu.region"() ({
      %run_scoped3A = tpu.sem_alloc : memref<!tpu.dma_semaphore, #tpu.memory_space<semaphore_mem>>
      tpu.enqueue_dma source(%arg4 : memref<128x128xf32, #tpu.memory_space<hbm>>) target(%arg18 : memref<128x128xf32, #tpu.memory_space<vmem>>) target_semaphore(%run_scoped3A : memref<!tpu.dma_semaphore, #tpu.memory_space<semaphore_mem>>)
      tpu.wait_dma2 semaphore(%run_scoped3A : memref<!tpu.dma_semaphore, #tpu.memory_space<semaphore_mem>>) src(%arg4 : memref<128x128xf32, #tpu.memory_space<hbm>>) dst(%arg18 : memref<128x128xf32, #tpu.memory_space<vmem>>)
      tpu.yield
    }) : () -> ()
    "tpu.region"() ({
      %run_scoped3A = tpu.sem_alloc : memref<!tpu.dma_semaphore, #tpu.memory_space<semaphore_mem>>
      tpu.enqueue_dma source(%arg5 : memref<10240xf32, #tpu.memory_space<hbm>>) target(%arg21 : memref<10240xf32, #tpu.memory_space<vmem>>) target_semaphore(%run_scoped3A : memref<!tpu.dma_semaphore, #tpu.memory_space<semaphore_mem>>)
      tpu.wait_dma2 semaphore(%run_scoped3A : memref<!tpu.dma_semaphore, #tpu.memory_space<semaphore_mem>>) src(%arg5 : memref<10240xf32, #tpu.memory_space<hbm>>) dst(%arg21 : memref<10240xf32, #tpu.memory_space<vmem>>)
      tpu.yield
    }) : () -> ()
    %scan3A = arith.constant 0 : i32
    %scan3A_8 = arith.constant 5 : i32
    %scan3A_9 = arith.addi %scan3A, %scan3A_8 : i32
    %scan3A_10 = arith.constant 1 : i32
    scf.for %scan3A_148 = %scan3A to %scan3A_9 step %scan3A_10  : i32 {
      %mul3A_149 = arith.constant 1 : i32
      %mul3A_150 = arith.muli %scan3A_148, %mul3A_149 : i32
      %add3A_151 = arith.constant 0 : i32
      %add3A_152 = arith.addi %add3A_151, %mul3A_150 : i32
      %mul3A_153 = arith.constant 128 : i32
      %mul3A_154 = arith.muli %add3A_152, %mul3A_153 : i32
      %add3A_155 = arith.addi %mul3A_2, %mul3A_154 : i32
      "tpu.region"() ({
        %run_scoped3A = tpu.sem_alloc : memref<!tpu.dma_semaphore, #tpu.memory_space<semaphore_mem>>
        %dma_start3A_156 = arith.constant 0 : i32
        %dma_start3A_157 = tpu.memref_slice %arg22[%add3A_155, %dma_start3A_156] : memref<10240x128xf32, #tpu.memory_space<vmem_shared>> -> memref<128x128xf32, #tpu.memory_space<vmem_shared>>
        %dma_start3A_158 = arith.constant 0 : i32
        %dma_start3A_159 = tpu.memref_slice %arg22[%add3A_155, %dma_start3A_158] : memref<10240x128xf32, #tpu.memory_space<vmem_shared>> -> memref<128x128xf32, #tpu.memory_space<vmem_shared>>
        tpu.enqueue_dma source(%arg18 : memref<128x128xf32, #tpu.memory_space<vmem>>) target(%dma_start3A_159 : memref<128x128xf32, #tpu.memory_space<vmem_shared>>) target_semaphore(%run_scoped3A : memref<!tpu.dma_semaphore, #tpu.memory_space<semaphore_mem>>)
        %dma_wait3A_160 = arith.constant 0 : i32
        %dma_wait3A_161 = tpu.memref_slice %arg22[%add3A_155, %dma_wait3A_160] : memref<10240x128xf32, #tpu.memory_space<vmem_shared>> -> memref<128x128xf32, #tpu.memory_space<vmem_shared>>
        %dma_wait3A_162 = arith.constant 0 : i32
        %dma_wait3A_163 = tpu.memref_slice %arg22[%add3A_155, %dma_wait3A_162] : memref<10240x128xf32, #tpu.memory_space<vmem_shared>> -> memref<128x128xf32, #tpu.memory_space<vmem_shared>>
        tpu.wait_dma2 semaphore(%run_scoped3A : memref<!tpu.dma_semaphore, #tpu.memory_space<semaphore_mem>>) src(%arg18 : memref<128x128xf32, #tpu.memory_space<vmem>>) dst(%dma_wait3A_163 : memref<128x128xf32, #tpu.memory_space<vmem_shared>>)
        tpu.yield
      }) : () -> ()
    }
    %scan3A_11 = arith.constant 5 : i32
    %barrier3A = arith.constant 0 : index
    tpu.barrier barrier_id(%barrier3A)
    %broadcast_in_dim3A = arith.constant 1.000000e+00 : f32
    %broadcast_in_dim3A_12 = vector.broadcast %broadcast_in_dim3A : f32 to vector<16xf32>
    %add3A_13 = arith.constant 0 : i32
    %add3A_14 = arith.addi %mul3A_7, %add3A_13 : i32
    %min3A = arith.constant 319872 : i32
    %min3A_15 = arith.minsi %add3A_14, %min3A : i32
    %dma_start3A = tpu.memref_slice %arg2[%min3A_15] : memref<640000xi32, #tpu.memory_space<hbm>> -> memref<128xi32, #tpu.memory_space<hbm>>
    %dma_start3A_16 = tpu.memref_slice %arg2[%min3A_15] : memref<640000xi32, #tpu.memory_space<hbm>> -> memref<128xi32, #tpu.memory_space<hbm>>
    tpu.enqueue_dma source(%dma_start3A_16 : memref<128xi32, #tpu.memory_space<hbm>>) target(%arg8 : memref<128xi32, #tpu.memory_space<vmem>>) target_semaphore(%arg23 : memref<!tpu.dma_semaphore, #tpu.memory_space<semaphore_mem>>)
    %add3A_17 = arith.constant 320000 : i32
    %add3A_18 = arith.addi %add3A_17, %min3A_15 : i32
    %dma_start3A_19 = tpu.memref_slice %arg2[%add3A_18] : memref<640000xi32, #tpu.memory_space<hbm>> -> memref<128xi32, #tpu.memory_space<hbm>>
    %dma_start3A_20 = tpu.memref_slice %arg2[%add3A_18] : memref<640000xi32, #tpu.memory_space<hbm>> -> memref<128xi32, #tpu.memory_space<hbm>>
    tpu.enqueue_dma source(%dma_start3A_20 : memref<128xi32, #tpu.memory_space<hbm>>) target(%arg12 : memref<128xi32, #tpu.memory_space<vmem>>) target_semaphore(%arg23 : memref<!tpu.dma_semaphore, #tpu.memory_space<semaphore_mem>>)
    %add3A_21 = arith.constant 128 : i32
    %add3A_22 = arith.addi %mul3A_7, %add3A_21 : i32
    %min3A_23 = arith.constant 319872 : i32
    %min3A_24 = arith.minsi %add3A_22, %min3A_23 : i32
    %dma_start3A_25 = tpu.memref_slice %arg2[%min3A_24] : memref<640000xi32, #tpu.memory_space<hbm>> -> memref<128xi32, #tpu.memory_space<hbm>>
    %dma_start3A_26 = tpu.memref_slice %arg2[%min3A_24] : memref<640000xi32, #tpu.memory_space<hbm>> -> memref<128xi32, #tpu.memory_space<hbm>>
    tpu.enqueue_dma source(%dma_start3A_26 : memref<128xi32, #tpu.memory_space<hbm>>) target(%arg9 : memref<128xi32, #tpu.memory_space<vmem>>) target_semaphore(%arg23 : memref<!tpu.dma_semaphore, #tpu.memory_space<semaphore_mem>>)
    %add3A_27 = arith.constant 320000 : i32
    %add3A_28 = arith.addi %add3A_27, %min3A_24 : i32
    %dma_start3A_29 = tpu.memref_slice %arg2[%add3A_28] : memref<640000xi32, #tpu.memory_space<hbm>> -> memref<128xi32, #tpu.memory_space<hbm>>
    %dma_start3A_30 = tpu.memref_slice %arg2[%add3A_28] : memref<640000xi32, #tpu.memory_space<hbm>> -> memref<128xi32, #tpu.memory_space<hbm>>
    tpu.enqueue_dma source(%dma_start3A_30 : memref<128xi32, #tpu.memory_space<hbm>>) target(%arg13 : memref<128xi32, #tpu.memory_space<vmem>>) target_semaphore(%arg23 : memref<!tpu.dma_semaphore, #tpu.memory_space<semaphore_mem>>)
    %add3A_31 = arith.constant 256 : i32
    %add3A_32 = arith.addi %mul3A_7, %add3A_31 : i32
    %min3A_33 = arith.constant 319872 : i32
    %min3A_34 = arith.minsi %add3A_32, %min3A_33 : i32
    %dma_start3A_35 = tpu.memref_slice %arg2[%min3A_34] : memref<640000xi32, #tpu.memory_space<hbm>> -> memref<128xi32, #tpu.memory_space<hbm>>
    %dma_start3A_36 = tpu.memref_slice %arg2[%min3A_34] : memref<640000xi32, #tpu.memory_space<hbm>> -> memref<128xi32, #tpu.memory_space<hbm>>
    tpu.enqueue_dma source(%dma_start3A_36 : memref<128xi32, #tpu.memory_space<hbm>>) target(%arg10 : memref<128xi32, #tpu.memory_space<vmem>>) target_semaphore(%arg23 : memref<!tpu.dma_semaphore, #tpu.memory_space<semaphore_mem>>)
    %add3A_37 = arith.constant 320000 : i32
    %add3A_38 = arith.addi %add3A_37, %min3A_34 : i32
    %dma_start3A_39 = tpu.memref_slice %arg2[%add3A_38] : memref<640000xi32, #tpu.memory_space<hbm>> -> memref<128xi32, #tpu.memory_space<hbm>>
    %dma_start3A_40 = tpu.memref_slice %arg2[%add3A_38] : memref<640000xi32, #tpu.memory_space<hbm>> -> memref<128xi32, #tpu.memory_space<hbm>>
    tpu.enqueue_dma source(%dma_start3A_40 : memref<128xi32, #tpu.memory_space<hbm>>) target(%arg14 : memref<128xi32, #tpu.memory_space<vmem>>) target_semaphore(%arg23 : memref<!tpu.dma_semaphore, #tpu.memory_space<semaphore_mem>>)
    %add3A_41 = arith.constant 384 : i32
    %add3A_42 = arith.addi %mul3A_7, %add3A_41 : i32
    %min3A_43 = arith.constant 319872 : i32
    %min3A_44 = arith.minsi %add3A_42, %min3A_43 : i32
    %dma_start3A_45 = tpu.memref_slice %arg2[%min3A_44] : memref<640000xi32, #tpu.memory_space<hbm>> -> memref<128xi32, #tpu.memory_space<hbm>>
    %dma_start3A_46 = tpu.memref_slice %arg2[%min3A_44] : memref<640000xi32, #tpu.memory_space<hbm>> -> memref<128xi32, #tpu.memory_space<hbm>>
    tpu.enqueue_dma source(%dma_start3A_46 : memref<128xi32, #tpu.memory_space<hbm>>) target(%arg11 : memref<128xi32, #tpu.memory_space<vmem>>) target_semaphore(%arg23 : memref<!tpu.dma_semaphore, #tpu.memory_space<semaphore_mem>>)
    %add3A_47 = arith.constant 320000 : i32
    %add3A_48 = arith.addi %add3A_47, %min3A_44 : i32
    %dma_start3A_49 = tpu.memref_slice %arg2[%add3A_48] : memref<640000xi32, #tpu.memory_space<hbm>> -> memref<128xi32, #tpu.memory_space<hbm>>
    %dma_start3A_50 = tpu.memref_slice %arg2[%add3A_48] : memref<640000xi32, #tpu.memory_space<hbm>> -> memref<128xi32, #tpu.memory_space<hbm>>
    tpu.enqueue_dma source(%dma_start3A_50 : memref<128xi32, #tpu.memory_space<hbm>>) target(%arg15 : memref<128xi32, #tpu.memory_space<vmem>>) target_semaphore(%arg23 : memref<!tpu.dma_semaphore, #tpu.memory_space<semaphore_mem>>)
    %add3A_51 = arith.constant 0 : i32
    %add3A_52 = arith.addi %mul3A_7, %add3A_51 : i32
    %min3A_53 = arith.constant 319872 : i32
    %min3A_54 = arith.minsi %add3A_52, %min3A_53 : i32
    %dma_wait3A = tpu.memref_slice %arg2[%min3A_54] : memref<640000xi32, #tpu.memory_space<hbm>> -> memref<128xi32, #tpu.memory_space<hbm>>
    %dma_wait3A_55 = tpu.memref_slice %arg2[%min3A_54] : memref<640000xi32, #tpu.memory_space<hbm>> -> memref<128xi32, #tpu.memory_space<hbm>>
    tpu.wait_dma2 semaphore(%arg23 : memref<!tpu.dma_semaphore, #tpu.memory_space<semaphore_mem>>) src(%dma_wait3A_55 : memref<128xi32, #tpu.memory_space<hbm>>) dst(%arg8 : memref<128xi32, #tpu.memory_space<vmem>>)
    %add3A_56 = arith.constant 320000 : i32
    %add3A_57 = arith.addi %add3A_56, %min3A_54 : i32
    %dma_wait3A_58 = tpu.memref_slice %arg2[%add3A_57] : memref<640000xi32, #tpu.memory_space<hbm>> -> memref<128xi32, #tpu.memory_space<hbm>>
    %dma_wait3A_59 = tpu.memref_slice %arg2[%add3A_57] : memref<640000xi32, #tpu.memory_space<hbm>> -> memref<128xi32, #tpu.memory_space<hbm>>
    tpu.wait_dma2 semaphore(%arg23 : memref<!tpu.dma_semaphore, #tpu.memory_space<semaphore_mem>>) src(%dma_wait3A_59 : memref<128xi32, #tpu.memory_space<hbm>>) dst(%arg12 : memref<128xi32, #tpu.memory_space<vmem>>)
    %add3A_60 = arith.constant 128 : i32
    %add3A_61 = arith.addi %mul3A_7, %add3A_60 : i32
    %min3A_62 = arith.constant 319872 : i32
    %min3A_63 = arith.minsi %add3A_61, %min3A_62 : i32
    %dma_wait3A_64 = tpu.memref_slice %arg2[%min3A_63] : memref<640000xi32, #tpu.memory_space<hbm>> -> memref<128xi32, #tpu.memory_space<hbm>>
    %dma_wait3A_65 = tpu.memref_slice %arg2[%min3A_63] : memref<640000xi32, #tpu.memory_space<hbm>> -> memref<128xi32, #tpu.memory_space<hbm>>
    tpu.wait_dma2 semaphore(%arg23 : memref<!tpu.dma_semaphore, #tpu.memory_space<semaphore_mem>>) src(%dma_wait3A_65 : memref<128xi32, #tpu.memory_space<hbm>>) dst(%arg9 : memref<128xi32, #tpu.memory_space<vmem>>)
    %add3A_66 = arith.constant 320000 : i32
    %add3A_67 = arith.addi %add3A_66, %min3A_63 : i32
    %dma_wait3A_68 = tpu.memref_slice %arg2[%add3A_67] : memref<640000xi32, #tpu.memory_space<hbm>> -> memref<128xi32, #tpu.memory_space<hbm>>
    %dma_wait3A_69 = tpu.memref_slice %arg2[%add3A_67] : memref<640000xi32, #tpu.memory_space<hbm>> -> memref<128xi32, #tpu.memory_space<hbm>>
    tpu.wait_dma2 semaphore(%arg23 : memref<!tpu.dma_semaphore, #tpu.memory_space<semaphore_mem>>) src(%dma_wait3A_69 : memref<128xi32, #tpu.memory_space<hbm>>) dst(%arg13 : memref<128xi32, #tpu.memory_space<vmem>>)
    %add3A_70 = arith.constant 256 : i32
    %add3A_71 = arith.addi %mul3A_7, %add3A_70 : i32
    %min3A_72 = arith.constant 319872 : i32
    %min3A_73 = arith.minsi %add3A_71, %min3A_72 : i32
    %dma_wait3A_74 = tpu.memref_slice %arg2[%min3A_73] : memref<640000xi32, #tpu.memory_space<hbm>> -> memref<128xi32, #tpu.memory_space<hbm>>
    %dma_wait3A_75 = tpu.memref_slice %arg2[%min3A_73] : memref<640000xi32, #tpu.memory_space<hbm>> -> memref<128xi32, #tpu.memory_space<hbm>>
    tpu.wait_dma2 semaphore(%arg23 : memref<!tpu.dma_semaphore, #tpu.memory_space<semaphore_mem>>) src(%dma_wait3A_75 : memref<128xi32, #tpu.memory_space<hbm>>) dst(%arg10 : memref<128xi32, #tpu.memory_space<vmem>>)
    %add3A_76 = arith.constant 320000 : i32
    %add3A_77 = arith.addi %add3A_76, %min3A_73 : i32
    %dma_wait3A_78 = tpu.memref_slice %arg2[%add3A_77] : memref<640000xi32, #tpu.memory_space<hbm>> -> memref<128xi32, #tpu.memory_space<hbm>>
    %dma_wait3A_79 = tpu.memref_slice %arg2[%add3A_77] : memref<640000xi32, #tpu.memory_space<hbm>> -> memref<128xi32, #tpu.memory_space<hbm>>
    tpu.wait_dma2 semaphore(%arg23 : memref<!tpu.dma_semaphore, #tpu.memory_space<semaphore_mem>>) src(%dma_wait3A_79 : memref<128xi32, #tpu.memory_space<hbm>>) dst(%arg14 : memref<128xi32, #tpu.memory_space<vmem>>)
    %add3A_80 = arith.constant 384 : i32
    %add3A_81 = arith.addi %mul3A_7, %add3A_80 : i32
    %min3A_82 = arith.constant 319872 : i32
    %min3A_83 = arith.minsi %add3A_81, %min3A_82 : i32
    %dma_wait3A_84 = tpu.memref_slice %arg2[%min3A_83] : memref<640000xi32, #tpu.memory_space<hbm>> -> memref<128xi32, #tpu.memory_space<hbm>>
    %dma_wait3A_85 = tpu.memref_slice %arg2[%min3A_83] : memref<640000xi32, #tpu.memory_space<hbm>> -> memref<128xi32, #tpu.memory_space<hbm>>
    tpu.wait_dma2 semaphore(%arg23 : memref<!tpu.dma_semaphore, #tpu.memory_space<semaphore_mem>>) src(%dma_wait3A_85 : memref<128xi32, #tpu.memory_space<hbm>>) dst(%arg11 : memref<128xi32, #tpu.memory_space<vmem>>)
    %add3A_86 = arith.constant 320000 : i32
    %add3A_87 = arith.addi %add3A_86, %min3A_83 : i32
    %dma_wait3A_88 = tpu.memref_slice %arg2[%add3A_87] : memref<640000xi32, #tpu.memory_space<hbm>> -> memref<128xi32, #tpu.memory_space<hbm>>
    %dma_wait3A_89 = tpu.memref_slice %arg2[%add3A_87] : memref<640000xi32, #tpu.memory_space<hbm>> -> memref<128xi32, #tpu.memory_space<hbm>>
    tpu.wait_dma2 semaphore(%arg23 : memref<!tpu.dma_semaphore, #tpu.memory_space<semaphore_mem>>) src(%dma_wait3A_89 : memref<128xi32, #tpu.memory_space<hbm>>) dst(%arg15 : memref<128xi32, #tpu.memory_space<vmem>>)
    %dma_start3A_90 = arith.constant 0 : i32
    %dma_start3A_91 = arith.constant 0 : i32
    %dma_start3A_92 = tpu.memref_slice %arg3[%dma_start3A_90, %dma_start3A_91] : memref<10000x128xf32, #tpu.memory_space<hbm>> -> memref<10000x128xf32, #tpu.memory_space<hbm>>
    tpu.enqueue_indirect_dma source(%dma_start3A_92 : memref<10000x128xf32, #tpu.memory_space<hbm>>) target(%arg18 : memref<128x128xf32, #tpu.memory_space<vmem>>) offsets(%arg8 : memref<128xi32, #tpu.memory_space<vmem>>) semaphore(%arg24 : memref<!tpu.dma_semaphore, #tpu.memory_space<semaphore_mem>>)
    %scan3A_93 = arith.constant 0 : i32
    %scan3A_94 = arith.constant 19 : i32
    %scan3A_95 = arith.addi %scan3A_93, %scan3A_94 : i32
    %scan3A_96 = arith.constant 1 : i32
    scf.for %scan3A_148 = %scan3A_93 to %scan3A_95 step %scan3A_96  : i32 {
      %mul3A_149 = arith.constant 1 : i32
      %mul3A_150 = arith.muli %scan3A_148, %mul3A_149 : i32
      %add3A_151 = arith.constant 0 : i32
      %add3A_152 = arith.addi %add3A_151, %mul3A_150 : i32
      %mul3A_153 = arith.constant 4 : i32
      %mul3A_154 = arith.muli %mul3A_153, %add3A_152 : i32
      %add3A_155 = arith.constant 4 : i32
      %add3A_156 = arith.addi %mul3A_154, %add3A_155 : i32
      %min3A_157 = arith.constant 76 : i32
      %min3A_158 = arith.minsi %add3A_156, %min3A_157 : i32
      %dma_wait3A_159 = arith.constant 0 : i32
      %dma_wait3A_160 = arith.constant 0 : i32
      %dma_wait3A_161 = tpu.memref_slice %arg3[%dma_wait3A_159, %dma_wait3A_160] : memref<10000x128xf32, #tpu.memory_space<hbm>> -> memref<10000x128xf32, #tpu.memory_space<hbm>>
      tpu.wait_indirect_dma semaphore(%arg24 : memref<!tpu.dma_semaphore, #tpu.memory_space<semaphore_mem>>) src(%dma_wait3A_161 : memref<10000x128xf32, #tpu.memory_space<hbm>>) dst(%arg18 : memref<128x128xf32, #tpu.memory_space<vmem>>)
      %dma_start3A_162 = arith.constant 0 : i32
      %dma_start3A_163 = arith.constant 0 : i32
      %dma_start3A_164 = tpu.memref_slice %arg3[%dma_start3A_162, %dma_start3A_163] : memref<10000x128xf32, #tpu.memory_space<hbm>> -> memref<10000x128xf32, #tpu.memory_space<hbm>>
      tpu.enqueue_indirect_dma source(%dma_start3A_164 : memref<10000x128xf32, #tpu.memory_space<hbm>>) target(%arg19 : memref<128x128xf32, #tpu.memory_space<vmem>>) offsets(%arg9 : memref<128xi32, #tpu.memory_space<vmem>>) semaphore(%arg25 : memref<!tpu.dma_semaphore, #tpu.memory_space<semaphore_mem>>)
      %dma_start3A_165 = arith.constant 0 : i32
      %dma_start3A_166 = arith.constant 0 : i32
      %dma_start3A_167 = tpu.memref_slice %arg22[%dma_start3A_165, %dma_start3A_166] : memref<10240x128xf32, #tpu.memory_space<vmem_shared>> -> memref<10240x128xf32, #tpu.memory_space<vmem_shared>>
      tpu.enqueue_indirect_dma source(%arg18 : memref<128x128xf32, #tpu.memory_space<vmem>>) target(%dma_start3A_167 : memref<10240x128xf32, #tpu.memory_space<vmem_shared>>) offsets(%arg12 : memref<128xi32, #tpu.memory_space<vmem>>) semaphore(%arg26 : memref<!tpu.dma_semaphore, #tpu.memory_space<semaphore_mem>>) {add = true}
      %scan3A_168 = arith.constant 0 : i32
      %scan3A_169 = arith.constant 8 : i32
      %scan3A_170 = arith.addi %scan3A_168, %scan3A_169 : i32
      %scan3A_171 = arith.constant 1 : i32
      scf.for %scan3A_331 = %scan3A_168 to %scan3A_170 step %scan3A_171  : i32 {
        %mul3A_332 = arith.constant 16 : i32
        %mul3A_333 = arith.muli %scan3A_331, %mul3A_332 : i32
        %add3A_334 = arith.constant 0 : i32
        %add3A_335 = arith.addi %add3A_334, %mul3A_333 : i32
        %get3A_336 = arith.index_cast %add3A_335 : i32 to index
        %get3A_337 = tpu.vector_load %arg12[%get3A_336] {strides = array<i32>} : memref<128xi32, #tpu.memory_space<vmem>>, vector<16xi32>,
        tpu.vector_store_idx %arg21[%get3A_337], %broadcast_in_dim3A_12 {add = true} : memref<10240xf32, #tpu.memory_space<vmem>>[vector<16xi32>], vector<16xf32>,
      }
      %scan3A_172 = arith.constant 8 : i32
      %dma_wait3A_173 = arith.constant 0 : i32
      %dma_wait3A_174 = arith.constant 0 : i32
      %dma_wait3A_175 = tpu.memref_slice %arg22[%dma_wait3A_173, %dma_wait3A_174] : memref<10240x128xf32, #tpu.memory_space<vmem_shared>> -> memref<10240x128xf32, #tpu.memory_space<vmem_shared>>
      tpu.wait_indirect_dma semaphore(%arg26 : memref<!tpu.dma_semaphore, #tpu.memory_space<semaphore_mem>>) src(%arg18 : memref<128x128xf32, #tpu.memory_space<vmem>>) dst(%dma_wait3A_175 : memref<10240x128xf32, #tpu.memory_space<vmem_shared>>)
      %dma_wait3A_176 = arith.constant 0 : i32
      %dma_wait3A_177 = arith.constant 0 : i32
      %dma_wait3A_178 = tpu.memref_slice %arg3[%dma_wait3A_176, %dma_wait3A_177] : memref<10000x128xf32, #tpu.memory_space<hbm>> -> memref<10000x128xf32, #tpu.memory_space<hbm>>
      tpu.wait_indirect_dma semaphore(%arg25 : memref<!tpu.dma_semaphore, #tpu.memory_space<semaphore_mem>>) src(%dma_wait3A_178 : memref<10000x128xf32, #tpu.memory_space<hbm>>) dst(%arg19 : memref<128x128xf32, #tpu.memory_space<vmem>>)
      %dma_start3A_179 = arith.constant 0 : i32
      %dma_start3A_180 = arith.constant 0 : i32
      %dma_start3A_181 = tpu.memref_slice %arg3[%dma_start3A_179, %dma_start3A_180] : memref<10000x128xf32, #tpu.memory_space<hbm>> -> memref<10000x128xf32, #tpu.memory_space<hbm>>
      tpu.enqueue_indirect_dma source(%dma_start3A_181 : memref<10000x128xf32, #tpu.memory_space<hbm>>) target(%arg18 : memref<128x128xf32, #tpu.memory_space<vmem>>) offsets(%arg10 : memref<128xi32, #tpu.memory_space<vmem>>) semaphore(%arg24 : memref<!tpu.dma_semaphore, #tpu.memory_space<semaphore_mem>>)
      %dma_start3A_182 = arith.constant 0 : i32
      %dma_start3A_183 = arith.constant 0 : i32
      %dma_start3A_184 = tpu.memref_slice %arg22[%dma_start3A_182, %dma_start3A_183] : memref<10240x128xf32, #tpu.memory_space<vmem_shared>> -> memref<10240x128xf32, #tpu.memory_space<vmem_shared>>
      tpu.enqueue_indirect_dma source(%arg19 : memref<128x128xf32, #tpu.memory_space<vmem>>) target(%dma_start3A_184 : memref<10240x128xf32, #tpu.memory_space<vmem_shared>>) offsets(%arg13 : memref<128xi32, #tpu.memory_space<vmem>>) semaphore(%arg27 : memref<!tpu.dma_semaphore, #tpu.memory_space<semaphore_mem>>) {add = true}
      %scan3A_185 = arith.constant 0 : i32
      %scan3A_186 = arith.constant 8 : i32
      %scan3A_187 = arith.addi %scan3A_185, %scan3A_186 : i32
      %scan3A_188 = arith.constant 1 : i32
      scf.for %scan3A_331 = %scan3A_185 to %scan3A_187 step %scan3A_188  : i32 {
        %mul3A_332 = arith.constant 16 : i32
        %mul3A_333 = arith.muli %scan3A_331, %mul3A_332 : i32
        %add3A_334 = arith.constant 0 : i32
        %add3A_335 = arith.addi %add3A_334, %mul3A_333 : i32
        %get3A_336 = arith.index_cast %add3A_335 : i32 to index
        %get3A_337 = tpu.vector_load %arg13[%get3A_336] {strides = array<i32>} : memref<128xi32, #tpu.memory_space<vmem>>, vector<16xi32>,
        tpu.vector_store_idx %arg21[%get3A_337], %broadcast_in_dim3A_12 {add = true} : memref<10240xf32, #tpu.memory_space<vmem>>[vector<16xi32>], vector<16xf32>,
      }
      %scan3A_189 = arith.constant 8 : i32
      %dma_wait3A_190 = arith.constant 0 : i32
      %dma_wait3A_191 = arith.constant 0 : i32
      %dma_wait3A_192 = tpu.memref_slice %arg22[%dma_wait3A_190, %dma_wait3A_191] : memref<10240x128xf32, #tpu.memory_space<vmem_shared>> -> memref<10240x128xf32, #tpu.memory_space<vmem_shared>>
      tpu.wait_indirect_dma semaphore(%arg27 : memref<!tpu.dma_semaphore, #tpu.memory_space<semaphore_mem>>) src(%arg19 : memref<128x128xf32, #tpu.memory_space<vmem>>) dst(%dma_wait3A_192 : memref<10240x128xf32, #tpu.memory_space<vmem_shared>>)
      %add3A_193 = arith.constant 0 : i32
      %add3A_194 = arith.addi %min3A_158, %add3A_193 : i32
      %mul3A_195 = arith.constant 128 : i32
      %mul3A_196 = arith.muli %add3A_194, %mul3A_195 : i32
      %add3A_197 = arith.addi %mul3A_7, %mul3A_196 : i32
      %min3A_198 = arith.constant 319872 : i32
      %min3A_199 = arith.minsi %add3A_197, %min3A_198 : i32
      %dma_start3A_200 = tpu.memref_slice %arg2[%min3A_199] : memref<640000xi32, #tpu.memory_space<hbm>> -> memref<128xi32, #tpu.memory_space<hbm>>
      %dma_start3A_201 = tpu.memref_slice %arg2[%min3A_199] : memref<640000xi32, #tpu.memory_space<hbm>> -> memref<128xi32, #tpu.memory_space<hbm>>
      tpu.enqueue_dma source(%dma_start3A_201 : memref<128xi32, #tpu.memory_space<hbm>>) target(%arg8 : memref<128xi32, #tpu.memory_space<vmem>>) target_semaphore(%arg23 : memref<!tpu.dma_semaphore, #tpu.memory_space<semaphore_mem>>)
      %add3A_202 = arith.constant 320000 : i32
      %add3A_203 = arith.addi %add3A_202, %min3A_199 : i32
      %dma_start3A_204 = tpu.memref_slice %arg2[%add3A_203] : memref<640000xi32, #tpu.memory_space<hbm>> -> memref<128xi32, #tpu.memory_space<hbm>>
      %dma_start3A_205 = tpu.memref_slice %arg2[%add3A_203] : memref<640000xi32, #tpu.memory_space<hbm>> -> memref<128xi32, #tpu.memory_space<hbm>>
      tpu.enqueue_dma source(%dma_start3A_205 : memref<128xi32, #tpu.memory_space<hbm>>) target(%arg12 : memref<128xi32, #tpu.memory_space<vmem>>) target_semaphore(%arg23 : memref<!tpu.dma_semaphore, #tpu.memory_space<semaphore_mem>>)
      %add3A_206 = arith.constant 1 : i32
      %add3A_207 = arith.addi %min3A_158, %add3A_206 : i32
      %mul3A_208 = arith.constant 128 : i32
      %mul3A_209 = arith.muli %add3A_207, %mul3A_208 : i32
      %add3A_210 = arith.addi %mul3A_7, %mul3A_209 : i32
      %min3A_211 = arith.constant 319872 : i32
      %min3A_212 = arith.minsi %add3A_210, %min3A_211 : i32
      %dma_start3A_213 = tpu.memref_slice %arg2[%min3A_212] : memref<640000xi32, #tpu.memory_space<hbm>> -> memref<128xi32, #tpu.memory_space<hbm>>
      %dma_start3A_214 = tpu.memref_slice %arg2[%min3A_212] : memref<640000xi32, #tpu.memory_space<hbm>> -> memref<128xi32, #tpu.memory_space<hbm>>
      tpu.enqueue_dma source(%dma_start3A_214 : memref<128xi32, #tpu.memory_space<hbm>>) target(%arg9 : memref<128xi32, #tpu.memory_space<vmem>>) target_semaphore(%arg23 : memref<!tpu.dma_semaphore, #tpu.memory_space<semaphore_mem>>)
      %add3A_215 = arith.constant 320000 : i32
      %add3A_216 = arith.addi %add3A_215, %min3A_212 : i32
      %dma_start3A_217 = tpu.memref_slice %arg2[%add3A_216] : memref<640000xi32, #tpu.memory_space<hbm>> -> memref<128xi32, #tpu.memory_space<hbm>>
      %dma_start3A_218 = tpu.memref_slice %arg2[%add3A_216] : memref<640000xi32, #tpu.memory_space<hbm>> -> memref<128xi32, #tpu.memory_space<hbm>>
      tpu.enqueue_dma source(%dma_start3A_218 : memref<128xi32, #tpu.memory_space<hbm>>) target(%arg13 : memref<128xi32, #tpu.memory_space<vmem>>) target_semaphore(%arg23 : memref<!tpu.dma_semaphore, #tpu.memory_space<semaphore_mem>>)
      %dma_wait3A_219 = arith.constant 0 : i32
      %dma_wait3A_220 = arith.constant 0 : i32
      %dma_wait3A_221 = tpu.memref_slice %arg3[%dma_wait3A_219, %dma_wait3A_220] : memref<10000x128xf32, #tpu.memory_space<hbm>> -> memref<10000x128xf32, #tpu.memory_space<hbm>>
      tpu.wait_indirect_dma semaphore(%arg24 : memref<!tpu.dma_semaphore, #tpu.memory_space<semaphore_mem>>) src(%dma_wait3A_221 : memref<10000x128xf32, #tpu.memory_space<hbm>>) dst(%arg18 : memref<128x128xf32, #tpu.memory_space<vmem>>)
      %dma_start3A_222 = arith.constant 0 : i32
      %dma_start3A_223 = arith.constant 0 : i32
      %dma_start3A_224 = tpu.memref_slice %arg3[%dma_start3A_222, %dma_start3A_223] : memref<10000x128xf32, #tpu.memory_space<hbm>> -> memref<10000x128xf32, #tpu.memory_space<hbm>>
      tpu.enqueue_indirect_dma source(%dma_start3A_224 : memref<10000x128xf32, #tpu.memory_space<hbm>>) target(%arg19 : memref<128x128xf32, #tpu.memory_space<vmem>>) offsets(%arg11 : memref<128xi32, #tpu.memory_space<vmem>>) semaphore(%arg25 : memref<!tpu.dma_semaphore, #tpu.memory_space<semaphore_mem>>)
      %dma_start3A_225 = arith.constant 0 : i32
      %dma_start3A_226 = arith.constant 0 : i32
      %dma_start3A_227 = tpu.memref_slice %arg22[%dma_start3A_225, %dma_start3A_226] : memref<10240x128xf32, #tpu.memory_space<vmem_shared>> -> memref<10240x128xf32, #tpu.memory_space<vmem_shared>>
      tpu.enqueue_indirect_dma source(%arg18 : memref<128x128xf32, #tpu.memory_space<vmem>>) target(%dma_start3A_227 : memref<10240x128xf32, #tpu.memory_space<vmem_shared>>) offsets(%arg14 : memref<128xi32, #tpu.memory_space<vmem>>) semaphore(%arg26 : memref<!tpu.dma_semaphore, #tpu.memory_space<semaphore_mem>>) {add = true}
      %scan3A_228 = arith.constant 0 : i32
      %scan3A_229 = arith.constant 8 : i32
      %scan3A_230 = arith.addi %scan3A_228, %scan3A_229 : i32
      %scan3A_231 = arith.constant 1 : i32
      scf.for %scan3A_331 = %scan3A_228 to %scan3A_230 step %scan3A_231  : i32 {
        %mul3A_332 = arith.constant 16 : i32
        %mul3A_333 = arith.muli %scan3A_331, %mul3A_332 : i32
        %add3A_334 = arith.constant 0 : i32
        %add3A_335 = arith.addi %add3A_334, %mul3A_333 : i32
        %get3A_336 = arith.index_cast %add3A_335 : i32 to index
        %get3A_337 = tpu.vector_load %arg14[%get3A_336] {strides = array<i32>} : memref<128xi32, #tpu.memory_space<vmem>>, vector<16xi32>,
        tpu.vector_store_idx %arg21[%get3A_337], %broadcast_in_dim3A_12 {add = true} : memref<10240xf32, #tpu.memory_space<vmem>>[vector<16xi32>], vector<16xf32>,
      }
      %scan3A_232 = arith.constant 8 : i32
      %dma_wait3A_233 = arith.constant 0 : i32
      %dma_wait3A_234 = arith.constant 0 : i32
      %dma_wait3A_235 = tpu.memref_slice %arg22[%dma_wait3A_233, %dma_wait3A_234] : memref<10240x128xf32, #tpu.memory_space<vmem_shared>> -> memref<10240x128xf32, #tpu.memory_space<vmem_shared>>
      tpu.wait_indirect_dma semaphore(%arg26 : memref<!tpu.dma_semaphore, #tpu.memory_space<semaphore_mem>>) src(%arg18 : memref<128x128xf32, #tpu.memory_space<vmem>>) dst(%dma_wait3A_235 : memref<10240x128xf32, #tpu.memory_space<vmem_shared>>)
      %dma_wait3A_236 = arith.constant 0 : i32
      %dma_wait3A_237 = arith.constant 0 : i32
      %dma_wait3A_238 = tpu.memref_slice %arg3[%dma_wait3A_236, %dma_wait3A_237] : memref<10000x128xf32, #tpu.memory_space<hbm>> -> memref<10000x128xf32, #tpu.memory_space<hbm>>
      tpu.wait_indirect_dma semaphore(%arg25 : memref<!tpu.dma_semaphore, #tpu.memory_space<semaphore_mem>>) src(%dma_wait3A_238 : memref<10000x128xf32, #tpu.memory_space<hbm>>) dst(%arg19 : memref<128x128xf32, #tpu.memory_space<vmem>>)
      %add3A_239 = arith.constant 2 : i32
      %add3A_240 = arith.addi %min3A_158, %add3A_239 : i32
      %mul3A_241 = arith.constant 128 : i32
      %mul3A_242 = arith.muli %add3A_240, %mul3A_241 : i32
      %add3A_243 = arith.addi %mul3A_7, %mul3A_242 : i32
      %min3A_244 = arith.constant 319872 : i32
      %min3A_245 = arith.minsi %add3A_243, %min3A_244 : i32
      %dma_start3A_246 = tpu.memref_slice %arg2[%min3A_245] : memref<640000xi32, #tpu.memory_space<hbm>> -> memref<128xi32, #tpu.memory_space<hbm>>
      %dma_start3A_247 = tpu.memref_slice %arg2[%min3A_245] : memref<640000xi32, #tpu.memory_space<hbm>> -> memref<128xi32, #tpu.memory_space<hbm>>
      tpu.enqueue_dma source(%dma_start3A_247 : memref<128xi32, #tpu.memory_space<hbm>>) target(%arg10 : memref<128xi32, #tpu.memory_space<vmem>>) target_semaphore(%arg23 : memref<!tpu.dma_semaphore, #tpu.memory_space<semaphore_mem>>)
      %add3A_248 = arith.constant 320000 : i32
      %add3A_249 = arith.addi %add3A_248, %min3A_245 : i32
      %dma_start3A_250 = tpu.memref_slice %arg2[%add3A_249] : memref<640000xi32, #tpu.memory_space<hbm>> -> memref<128xi32, #tpu.memory_space<hbm>>
      %dma_start3A_251 = tpu.memref_slice %arg2[%add3A_249] : memref<640000xi32, #tpu.memory_space<hbm>> -> memref<128xi32, #tpu.memory_space<hbm>>
      tpu.enqueue_dma source(%dma_start3A_251 : memref<128xi32, #tpu.memory_space<hbm>>) target(%arg14 : memref<128xi32, #tpu.memory_space<vmem>>) target_semaphore(%arg23 : memref<!tpu.dma_semaphore, #tpu.memory_space<semaphore_mem>>)
      %dma_start3A_252 = arith.constant 0 : i32
      %dma_start3A_253 = arith.constant 0 : i32
      %dma_start3A_254 = tpu.memref_slice %arg22[%dma_start3A_252, %dma_start3A_253] : memref<10240x128xf32, #tpu.memory_space<vmem_shared>> -> memref<10240x128xf32, #tpu.memory_space<vmem_shared>>
      tpu.enqueue_indirect_dma source(%arg19 : memref<128x128xf32, #tpu.memory_space<vmem>>) target(%dma_start3A_254 : memref<10240x128xf32, #tpu.memory_space<vmem_shared>>) offsets(%arg15 : memref<128xi32, #tpu.memory_space<vmem>>) semaphore(%arg27 : memref<!tpu.dma_semaphore, #tpu.memory_space<semaphore_mem>>) {add = true}
      %scan3A_255 = arith.constant 0 : i32
      %scan3A_256 = arith.constant 8 : i32
      %scan3A_257 = arith.addi %scan3A_255, %scan3A_256 : i32
      %scan3A_258 = arith.constant 1 : i32
      scf.for %scan3A_331 = %scan3A_255 to %scan3A_257 step %scan3A_258  : i32 {
        %mul3A_332 = arith.constant 16 : i32
        %mul3A_333 = arith.muli %scan3A_331, %mul3A_332 : i32
        %add3A_334 = arith.constant 0 : i32
        %add3A_335 = arith.addi %add3A_334, %mul3A_333 : i32
        %get3A_336 = arith.index_cast %add3A_335 : i32 to index
        %get3A_337 = tpu.vector_load %arg15[%get3A_336] {strides = array<i32>} : memref<128xi32, #tpu.memory_space<vmem>>, vector<16xi32>,
        tpu.vector_store_idx %arg21[%get3A_337], %broadcast_in_dim3A_12 {add = true} : memref<10240xf32, #tpu.memory_space<vmem>>[vector<16xi32>], vector<16xf32>,
      }
      %scan3A_259 = arith.constant 8 : i32
      %dma_wait3A_260 = arith.constant 0 : i32
      %dma_wait3A_261 = arith.constant 0 : i32
      %dma_wait3A_262 = tpu.memref_slice %arg22[%dma_wait3A_260, %dma_wait3A_261] : memref<10240x128xf32, #tpu.memory_space<vmem_shared>> -> memref<10240x128xf32, #tpu.memory_space<vmem_shared>>
      tpu.wait_indirect_dma semaphore(%arg27 : memref<!tpu.dma_semaphore, #tpu.memory_space<semaphore_mem>>) src(%arg19 : memref<128x128xf32, #tpu.memory_space<vmem>>) dst(%dma_wait3A_262 : memref<10240x128xf32, #tpu.memory_space<vmem_shared>>)
      %add3A_263 = arith.constant 3 : i32
      %add3A_264 = arith.addi %min3A_158, %add3A_263 : i32
      %mul3A_265 = arith.constant 128 : i32
      %mul3A_266 = arith.muli %add3A_264, %mul3A_265 : i32
      %add3A_267 = arith.addi %mul3A_7, %mul3A_266 : i32
      %min3A_268 = arith.constant 319872 : i32
      %min3A_269 = arith.minsi %add3A_267, %min3A_268 : i32
      %dma_start3A_270 = tpu.memref_slice %arg2[%min3A_269] : memref<640000xi32, #tpu.memory_space<hbm>> -> memref<128xi32, #tpu.memory_space<hbm>>
      %dma_start3A_271 = tpu.memref_slice %arg2[%min3A_269] : memref<640000xi32, #tpu.memory_space<hbm>> -> memref<128xi32, #tpu.memory_space<hbm>>
      tpu.enqueue_dma source(%dma_start3A_271 : memref<128xi32, #tpu.memory_space<hbm>>) target(%arg11 : memref<128xi32, #tpu.memory_space<vmem>>) target_semaphore(%arg23 : memref<!tpu.dma_semaphore, #tpu.memory_space<semaphore_mem>>)
      %add3A_272 = arith.constant 320000 : i32
      %add3A_273 = arith.addi %add3A_272, %min3A_269 : i32
      %dma_start3A_274 = tpu.memref_slice %arg2[%add3A_273] : memref<640000xi32, #tpu.memory_space<hbm>> -> memref<128xi32, #tpu.memory_space<hbm>>
      %dma_start3A_275 = tpu.memref_slice %arg2[%add3A_273] : memref<640000xi32, #tpu.memory_space<hbm>> -> memref<128xi32, #tpu.memory_space<hbm>>
      tpu.enqueue_dma source(%dma_start3A_275 : memref<128xi32, #tpu.memory_space<hbm>>) target(%arg15 : memref<128xi32, #tpu.memory_space<vmem>>) target_semaphore(%arg23 : memref<!tpu.dma_semaphore, #tpu.memory_space<semaphore_mem>>)
      %add3A_276 = arith.constant 0 : i32
      %add3A_277 = arith.addi %min3A_158, %add3A_276 : i32
      %mul3A_278 = arith.constant 128 : i32
      %mul3A_279 = arith.muli %add3A_277, %mul3A_278 : i32
      %add3A_280 = arith.addi %mul3A_7, %mul3A_279 : i32
      %min3A_281 = arith.constant 319872 : i32
      %min3A_282 = arith.minsi %add3A_280, %min3A_281 : i32
      %dma_wait3A_283 = tpu.memref_slice %arg2[%min3A_282] : memref<640000xi32, #tpu.memory_space<hbm>> -> memref<128xi32, #tpu.memory_space<hbm>>
      %dma_wait3A_284 = tpu.memref_slice %arg2[%min3A_282] : memref<640000xi32, #tpu.memory_space<hbm>> -> memref<128xi32, #tpu.memory_space<hbm>>
      tpu.wait_dma2 semaphore(%arg23 : memref<!tpu.dma_semaphore, #tpu.memory_space<semaphore_mem>>) src(%dma_wait3A_284 : memref<128xi32, #tpu.memory_space<hbm>>) dst(%arg8 : memref<128xi32, #tpu.memory_space<vmem>>)
      %add3A_285 = arith.constant 320000 : i32
      %add3A_286 = arith.addi %add3A_285, %min3A_282 : i32
      %dma_wait3A_287 = tpu.memref_slice %arg2[%add3A_286] : memref<640000xi32, #tpu.memory_space<hbm>> -> memref<128xi32, #tpu.memory_space<hbm>>
      %dma_wait3A_288 = tpu.memref_slice %arg2[%add3A_286] : memref<640000xi32, #tpu.memory_space<hbm>> -> memref<128xi32, #tpu.memory_space<hbm>>
      tpu.wait_dma2 semaphore(%arg23 : memref<!tpu.dma_semaphore, #tpu.memory_space<semaphore_mem>>) src(%dma_wait3A_288 : memref<128xi32, #tpu.memory_space<hbm>>) dst(%arg12 : memref<128xi32, #tpu.memory_space<vmem>>)
      %add3A_289 = arith.constant 1 : i32
      %add3A_290 = arith.addi %min3A_158, %add3A_289 : i32
      %mul3A_291 = arith.constant 128 : i32
      %mul3A_292 = arith.muli %add3A_290, %mul3A_291 : i32
      %add3A_293 = arith.addi %mul3A_7, %mul3A_292 : i32
      %min3A_294 = arith.constant 319872 : i32
      %min3A_295 = arith.minsi %add3A_293, %min3A_294 : i32
      %dma_wait3A_296 = tpu.memref_slice %arg2[%min3A_295] : memref<640000xi32, #tpu.memory_space<hbm>> -> memref<128xi32, #tpu.memory_space<hbm>>
      %dma_wait3A_297 = tpu.memref_slice %arg2[%min3A_295] : memref<640000xi32, #tpu.memory_space<hbm>> -> memref<128xi32, #tpu.memory_space<hbm>>
      tpu.wait_dma2 semaphore(%arg23 : memref<!tpu.dma_semaphore, #tpu.memory_space<semaphore_mem>>) src(%dma_wait3A_297 : memref<128xi32, #tpu.memory_space<hbm>>) dst(%arg9 : memref<128xi32, #tpu.memory_space<vmem>>)
      %add3A_298 = arith.constant 320000 : i32
      %add3A_299 = arith.addi %add3A_298, %min3A_295 : i32
      %dma_wait3A_300 = tpu.memref_slice %arg2[%add3A_299] : memref<640000xi32, #tpu.memory_space<hbm>> -> memref<128xi32, #tpu.memory_space<hbm>>
      %dma_wait3A_301 = tpu.memref_slice %arg2[%add3A_299] : memref<640000xi32, #tpu.memory_space<hbm>> -> memref<128xi32, #tpu.memory_space<hbm>>
      tpu.wait_dma2 semaphore(%arg23 : memref<!tpu.dma_semaphore, #tpu.memory_space<semaphore_mem>>) src(%dma_wait3A_301 : memref<128xi32, #tpu.memory_space<hbm>>) dst(%arg13 : memref<128xi32, #tpu.memory_space<vmem>>)
      %add3A_302 = arith.constant 2 : i32
      %add3A_303 = arith.addi %min3A_158, %add3A_302 : i32
      %mul3A_304 = arith.constant 128 : i32
      %mul3A_305 = arith.muli %add3A_303, %mul3A_304 : i32
      %add3A_306 = arith.addi %mul3A_7, %mul3A_305 : i32
      %min3A_307 = arith.constant 319872 : i32
      %min3A_308 = arith.minsi %add3A_306, %min3A_307 : i32
      %dma_wait3A_309 = tpu.memref_slice %arg2[%min3A_308] : memref<640000xi32, #tpu.memory_space<hbm>> -> memref<128xi32, #tpu.memory_space<hbm>>
      %dma_wait3A_310 = tpu.memref_slice %arg2[%min3A_308] : memref<640000xi32, #tpu.memory_space<hbm>> -> memref<128xi32, #tpu.memory_space<hbm>>
      tpu.wait_dma2 semaphore(%arg23 : memref<!tpu.dma_semaphore, #tpu.memory_space<semaphore_mem>>) src(%dma_wait3A_310 : memref<128xi32, #tpu.memory_space<hbm>>) dst(%arg10 : memref<128xi32, #tpu.memory_space<vmem>>)
      %add3A_311 = arith.constant 320000 : i32
      %add3A_312 = arith.addi %add3A_311, %min3A_308 : i32
      %dma_wait3A_313 = tpu.memref_slice %arg2[%add3A_312] : memref<640000xi32, #tpu.memory_space<hbm>> -> memref<128xi32, #tpu.memory_space<hbm>>
      %dma_wait3A_314 = tpu.memref_slice %arg2[%add3A_312] : memref<640000xi32, #tpu.memory_space<hbm>> -> memref<128xi32, #tpu.memory_space<hbm>>
      tpu.wait_dma2 semaphore(%arg23 : memref<!tpu.dma_semaphore, #tpu.memory_space<semaphore_mem>>) src(%dma_wait3A_314 : memref<128xi32, #tpu.memory_space<hbm>>) dst(%arg14 : memref<128xi32, #tpu.memory_space<vmem>>)
      %add3A_315 = arith.constant 3 : i32
      %add3A_316 = arith.addi %min3A_158, %add3A_315 : i32
      %mul3A_317 = arith.constant 128 : i32
      %mul3A_318 = arith.muli %add3A_316, %mul3A_317 : i32
      %add3A_319 = arith.addi %mul3A_7, %mul3A_318 : i32
      %min3A_320 = arith.constant 319872 : i32
      %min3A_321 = arith.minsi %add3A_319, %min3A_320 : i32
      %dma_wait3A_322 = tpu.memref_slice %arg2[%min3A_321] : memref<640000xi32, #tpu.memory_space<hbm>> -> memref<128xi32, #tpu.memory_space<hbm>>
      %dma_wait3A_323 = tpu.memref_slice %arg2[%min3A_321] : memref<640000xi32, #tpu.memory_space<hbm>> -> memref<128xi32, #tpu.memory_space<hbm>>
      tpu.wait_dma2 semaphore(%arg23 : memref<!tpu.dma_semaphore, #tpu.memory_space<semaphore_mem>>) src(%dma_wait3A_323 : memref<128xi32, #tpu.memory_space<hbm>>) dst(%arg11 : memref<128xi32, #tpu.memory_space<vmem>>)
      %add3A_324 = arith.constant 320000 : i32
      %add3A_325 = arith.addi %add3A_324, %min3A_321 : i32
      %dma_wait3A_326 = tpu.memref_slice %arg2[%add3A_325] : memref<640000xi32, #tpu.memory_space<hbm>> -> memref<128xi32, #tpu.memory_space<hbm>>
      %dma_wait3A_327 = tpu.memref_slice %arg2[%add3A_325] : memref<640000xi32, #tpu.memory_space<hbm>> -> memref<128xi32, #tpu.memory_space<hbm>>
      tpu.wait_dma2 semaphore(%arg23 : memref<!tpu.dma_semaphore, #tpu.memory_space<semaphore_mem>>) src(%dma_wait3A_327 : memref<128xi32, #tpu.memory_space<hbm>>) dst(%arg15 : memref<128xi32, #tpu.memory_space<vmem>>)
      %dma_start3A_328 = arith.constant 0 : i32
      %dma_start3A_329 = arith.constant 0 : i32
      %dma_start3A_330 = tpu.memref_slice %arg3[%dma_start3A_328, %dma_start3A_329] : memref<10000x128xf32, #tpu.memory_space<hbm>> -> memref<10000x128xf32, #tpu.memory_space<hbm>>
      tpu.enqueue_indirect_dma source(%dma_start3A_330 : memref<10000x128xf32, #tpu.memory_space<hbm>>) target(%arg18 : memref<128x128xf32, #tpu.memory_space<vmem>>) offsets(%arg8 : memref<128xi32, #tpu.memory_space<vmem>>) semaphore(%arg24 : memref<!tpu.dma_semaphore, #tpu.memory_space<semaphore_mem>>)
    }
    %scan3A_97 = arith.constant 19 : i32
    %add3A_98 = arith.constant 9984 : i32
    %add3A_99 = arith.addi %mul3A_7, %add3A_98 : i32
    "tpu.region"() ({
      %run_scoped3A = tpu.sem_alloc : memref<!tpu.dma_semaphore, #tpu.memory_space<semaphore_mem>>
      %dma_start3A_148 = tpu.memref_slice %arg2[%add3A_99] : memref<640000xi32, #tpu.memory_space<hbm>> -> memref<16xi32, #tpu.memory_space<hbm>>
      %dma_start3A_149 = tpu.memref_slice %arg2[%add3A_99] : memref<640000xi32, #tpu.memory_space<hbm>> -> memref<16xi32, #tpu.memory_space<hbm>>
      tpu.enqueue_dma source(%dma_start3A_149 : memref<16xi32, #tpu.memory_space<hbm>>) target(%arg16 : memref<16xi32, #tpu.memory_space<vmem>>) target_semaphore(%run_scoped3A : memref<!tpu.dma_semaphore, #tpu.memory_space<semaphore_mem>>)
      %dma_wait3A_150 = tpu.memref_slice %arg2[%add3A_99] : memref<640000xi32, #tpu.memory_space<hbm>> -> memref<16xi32, #tpu.memory_space<hbm>>
      %dma_wait3A_151 = tpu.memref_slice %arg2[%add3A_99] : memref<640000xi32, #tpu.memory_space<hbm>> -> memref<16xi32, #tpu.memory_space<hbm>>
      tpu.wait_dma2 semaphore(%run_scoped3A : memref<!tpu.dma_semaphore, #tpu.memory_space<semaphore_mem>>) src(%dma_wait3A_151 : memref<16xi32, #tpu.memory_space<hbm>>) dst(%arg16 : memref<16xi32, #tpu.memory_space<vmem>>)
      tpu.yield
    }) : () -> ()
    %add3A_100 = arith.constant 320000 : i32
    %add3A_101 = arith.addi %add3A_100, %add3A_99 : i32
    "tpu.region"() ({
      %run_scoped3A = tpu.sem_alloc : memref<!tpu.dma_semaphore, #tpu.memory_space<semaphore_mem>>
      %dma_start3A_148 = tpu.memref_slice %arg2[%add3A_101] : memref<640000xi32, #tpu.memory_space<hbm>> -> memref<16xi32, #tpu.memory_space<hbm>>
      %dma_start3A_149 = tpu.memref_slice %arg2[%add3A_101] : memref<640000xi32, #tpu.memory_space<hbm>> -> memref<16xi32, #tpu.memory_space<hbm>>
      tpu.enqueue_dma source(%dma_start3A_149 : memref<16xi32, #tpu.memory_space<hbm>>) target(%arg17 : memref<16xi32, #tpu.memory_space<vmem>>) target_semaphore(%run_scoped3A : memref<!tpu.dma_semaphore, #tpu.memory_space<semaphore_mem>>)
      %dma_wait3A_150 = tpu.memref_slice %arg2[%add3A_101] : memref<640000xi32, #tpu.memory_space<hbm>> -> memref<16xi32, #tpu.memory_space<hbm>>
      %dma_wait3A_151 = tpu.memref_slice %arg2[%add3A_101] : memref<640000xi32, #tpu.memory_space<hbm>> -> memref<16xi32, #tpu.memory_space<hbm>>
      tpu.wait_dma2 semaphore(%run_scoped3A : memref<!tpu.dma_semaphore, #tpu.memory_space<semaphore_mem>>) src(%dma_wait3A_151 : memref<16xi32, #tpu.memory_space<hbm>>) dst(%arg17 : memref<16xi32, #tpu.memory_space<vmem>>)
      tpu.yield
    }) : () -> ()
    %dma_wait3A_102 = arith.constant 0 : i32
    %dma_wait3A_103 = arith.constant 0 : i32
    %dma_wait3A_104 = tpu.memref_slice %arg3[%dma_wait3A_102, %dma_wait3A_103] : memref<10000x128xf32, #tpu.memory_space<hbm>> -> memref<10000x128xf32, #tpu.memory_space<hbm>>
    tpu.wait_indirect_dma semaphore(%arg24 : memref<!tpu.dma_semaphore, #tpu.memory_space<semaphore_mem>>) src(%dma_wait3A_104 : memref<10000x128xf32, #tpu.memory_space<hbm>>) dst(%arg18 : memref<128x128xf32, #tpu.memory_space<vmem>>)
    %dma_start3A_105 = arith.constant 0 : i32
    %dma_start3A_106 = arith.constant 0 : i32
    %dma_start3A_107 = tpu.memref_slice %arg3[%dma_start3A_105, %dma_start3A_106] : memref<10000x128xf32, #tpu.memory_space<hbm>> -> memref<10000x128xf32, #tpu.memory_space<hbm>>
    tpu.enqueue_indirect_dma source(%dma_start3A_107 : memref<10000x128xf32, #tpu.memory_space<hbm>>) target(%arg19 : memref<128x128xf32, #tpu.memory_space<vmem>>) offsets(%arg9 : memref<128xi32, #tpu.memory_space<vmem>>) semaphore(%arg25 : memref<!tpu.dma_semaphore, #tpu.memory_space<semaphore_mem>>)
    %dma_start3A_108 = arith.constant 0 : i32
    %dma_start3A_109 = arith.constant 0 : i32
    %dma_start3A_110 = tpu.memref_slice %arg3[%dma_start3A_108, %dma_start3A_109] : memref<10000x128xf32, #tpu.memory_space<hbm>> -> memref<10000x128xf32, #tpu.memory_space<hbm>>
    tpu.enqueue_indirect_dma source(%dma_start3A_110 : memref<10000x128xf32, #tpu.memory_space<hbm>>) target(%arg20 : memref<16x128xf32, #tpu.memory_space<vmem>>) offsets(%arg16 : memref<16xi32, #tpu.memory_space<vmem>>) semaphore(%arg23 : memref<!tpu.dma_semaphore, #tpu.memory_space<semaphore_mem>>)
    %dma_start3A_111 = arith.constant 0 : i32
    %dma_start3A_112 = arith.constant 0 : i32
    %dma_start3A_113 = tpu.memref_slice %arg22[%dma_start3A_111, %dma_start3A_112] : memref<10240x128xf32, #tpu.memory_space<vmem_shared>> -> memref<10240x128xf32, #tpu.memory_space<vmem_shared>>
    tpu.enqueue_indirect_dma source(%arg18 : memref<128x128xf32, #tpu.memory_space<vmem>>) target(%dma_start3A_113 : memref<10240x128xf32, #tpu.memory_space<vmem_shared>>) offsets(%arg12 : memref<128xi32, #tpu.memory_space<vmem>>) semaphore(%arg26 : memref<!tpu.dma_semaphore, #tpu.memory_space<semaphore_mem>>) {add = true}
    %scan3A_114 = arith.constant 0 : i32
    %scan3A_115 = arith.constant 8 : i32
    %scan3A_116 = arith.addi %scan3A_114, %scan3A_115 : i32
    %scan3A_117 = arith.constant 1 : i32
    scf.for %scan3A_148 = %scan3A_114 to %scan3A_116 step %scan3A_117  : i32 {
      %mul3A_149 = arith.constant 16 : i32
      %mul3A_150 = arith.muli %scan3A_148, %mul3A_149 : i32
      %add3A_151 = arith.constant 0 : i32
      %add3A_152 = arith.addi %add3A_151, %mul3A_150 : i32
      %get3A_153 = arith.index_cast %add3A_152 : i32 to index
      %get3A_154 = tpu.vector_load %arg12[%get3A_153] {strides = array<i32>} : memref<128xi32, #tpu.memory_space<vmem>>, vector<16xi32>,
      tpu.vector_store_idx %arg21[%get3A_154], %broadcast_in_dim3A_12 {add = true} : memref<10240xf32, #tpu.memory_space<vmem>>[vector<16xi32>], vector<16xf32>,
    }
    %scan3A_118 = arith.constant 8 : i32
    %dma_wait3A_119 = arith.constant 0 : i32
    %dma_wait3A_120 = arith.constant 0 : i32
    %dma_wait3A_121 = tpu.memref_slice %arg22[%dma_wait3A_119, %dma_wait3A_120] : memref<10240x128xf32, #tpu.memory_space<vmem_shared>> -> memref<10240x128xf32, #tpu.memory_space<vmem_shared>>
    tpu.wait_indirect_dma semaphore(%arg26 : memref<!tpu.dma_semaphore, #tpu.memory_space<semaphore_mem>>) src(%arg18 : memref<128x128xf32, #tpu.memory_space<vmem>>) dst(%dma_wait3A_121 : memref<10240x128xf32, #tpu.memory_space<vmem_shared>>)
    %dma_wait3A_122 = arith.constant 0 : i32
    %dma_wait3A_123 = arith.constant 0 : i32
    %dma_wait3A_124 = tpu.memref_slice %arg3[%dma_wait3A_122, %dma_wait3A_123] : memref<10000x128xf32, #tpu.memory_space<hbm>> -> memref<10000x128xf32, #tpu.memory_space<hbm>>
    tpu.wait_indirect_dma semaphore(%arg25 : memref<!tpu.dma_semaphore, #tpu.memory_space<semaphore_mem>>) src(%dma_wait3A_124 : memref<10000x128xf32, #tpu.memory_space<hbm>>) dst(%arg19 : memref<128x128xf32, #tpu.memory_space<vmem>>)
    %dma_start3A_125 = arith.constant 0 : i32
    %dma_start3A_126 = arith.constant 0 : i32
    %dma_start3A_127 = tpu.memref_slice %arg22[%dma_start3A_125, %dma_start3A_126] : memref<10240x128xf32, #tpu.memory_space<vmem_shared>> -> memref<10240x128xf32, #tpu.memory_space<vmem_shared>>
    tpu.enqueue_indirect_dma source(%arg19 : memref<128x128xf32, #tpu.memory_space<vmem>>) target(%dma_start3A_127 : memref<10240x128xf32, #tpu.memory_space<vmem_shared>>) offsets(%arg13 : memref<128xi32, #tpu.memory_space<vmem>>) semaphore(%arg27 : memref<!tpu.dma_semaphore, #tpu.memory_space<semaphore_mem>>) {add = true}
    %scan3A_128 = arith.constant 0 : i32
    %scan3A_129 = arith.constant 8 : i32
    %scan3A_130 = arith.addi %scan3A_128, %scan3A_129 : i32
    %scan3A_131 = arith.constant 1 : i32
    scf.for %scan3A_148 = %scan3A_128 to %scan3A_130 step %scan3A_131  : i32 {
      %mul3A_149 = arith.constant 16 : i32
      %mul3A_150 = arith.muli %scan3A_148, %mul3A_149 : i32
      %add3A_151 = arith.constant 0 : i32
      %add3A_152 = arith.addi %add3A_151, %mul3A_150 : i32
      %get3A_153 = arith.index_cast %add3A_152 : i32 to index
      %get3A_154 = tpu.vector_load %arg13[%get3A_153] {strides = array<i32>} : memref<128xi32, #tpu.memory_space<vmem>>, vector<16xi32>,
      tpu.vector_store_idx %arg21[%get3A_154], %broadcast_in_dim3A_12 {add = true} : memref<10240xf32, #tpu.memory_space<vmem>>[vector<16xi32>], vector<16xf32>,
    }
    %scan3A_132 = arith.constant 8 : i32
    %dma_wait3A_133 = arith.constant 0 : i32
    %dma_wait3A_134 = arith.constant 0 : i32
    %dma_wait3A_135 = tpu.memref_slice %arg22[%dma_wait3A_133, %dma_wait3A_134] : memref<10240x128xf32, #tpu.memory_space<vmem_shared>> -> memref<10240x128xf32, #tpu.memory_space<vmem_shared>>
    tpu.wait_indirect_dma semaphore(%arg27 : memref<!tpu.dma_semaphore, #tpu.memory_space<semaphore_mem>>) src(%arg19 : memref<128x128xf32, #tpu.memory_space<vmem>>) dst(%dma_wait3A_135 : memref<10240x128xf32, #tpu.memory_space<vmem_shared>>)
    %dma_wait3A_136 = arith.constant 0 : i32
    %dma_wait3A_137 = arith.constant 0 : i32
    %dma_wait3A_138 = tpu.memref_slice %arg3[%dma_wait3A_136, %dma_wait3A_137] : memref<10000x128xf32, #tpu.memory_space<hbm>> -> memref<10000x128xf32, #tpu.memory_space<hbm>>
    tpu.wait_indirect_dma semaphore(%arg23 : memref<!tpu.dma_semaphore, #tpu.memory_space<semaphore_mem>>) src(%dma_wait3A_138 : memref<10000x128xf32, #tpu.memory_space<hbm>>) dst(%arg20 : memref<16x128xf32, #tpu.memory_space<vmem>>)
    "tpu.region"() ({
      %run_scoped3A = tpu.sem_alloc : memref<!tpu.dma_semaphore, #tpu.memory_space<semaphore_mem>>
      %dma_start3A_148 = arith.constant 0 : i32
      %dma_start3A_149 = arith.constant 0 : i32
      %dma_start3A_150 = tpu.memref_slice %arg22[%dma_start3A_148, %dma_start3A_149] : memref<10240x128xf32, #tpu.memory_space<vmem_shared>> -> memref<10240x128xf32, #tpu.memory_space<vmem_shared>>
      tpu.enqueue_indirect_dma source(%arg20 : memref<16x128xf32, #tpu.memory_space<vmem>>) target(%dma_start3A_150 : memref<10240x128xf32, #tpu.memory_space<vmem_shared>>) offsets(%arg17 : memref<16xi32, #tpu.memory_space<vmem>>) semaphore(%run_scoped3A : memref<!tpu.dma_semaphore, #tpu.memory_space<semaphore_mem>>) {add = true}
      %dma_wait3A_151 = arith.constant 0 : i32
      %dma_wait3A_152 = arith.constant 0 : i32
      %dma_wait3A_153 = tpu.memref_slice %arg22[%dma_wait3A_151, %dma_wait3A_152] : memref<10240x128xf32, #tpu.memory_space<vmem_shared>> -> memref<10240x128xf32, #tpu.memory_space<vmem_shared>>
      tpu.wait_indirect_dma semaphore(%run_scoped3A : memref<!tpu.dma_semaphore, #tpu.memory_space<semaphore_mem>>) src(%arg20 : memref<16x128xf32, #tpu.memory_space<vmem>>) dst(%dma_wait3A_153 : memref<10240x128xf32, #tpu.memory_space<vmem_shared>>)
      tpu.yield
    }) : () -> ()
    %get3A = arith.constant 0 : index
    %get3A_139 = tpu.vector_load %arg17[%get3A] {strides = array<i32>} : memref<16xi32, #tpu.memory_space<vmem>>, vector<16xi32>,
    tpu.vector_store_idx %arg21[%get3A_139], %broadcast_in_dim3A_12 {add = true} : memref<10240xf32, #tpu.memory_space<vmem>>[vector<16xi32>], vector<16xf32>,
    %barrier3A_140 = arith.constant 0 : index
    tpu.barrier barrier_id(%barrier3A_140)
    %scan3A_141 = arith.constant 0 : i32
    %scan3A_142 = arith.constant 5 : i32
    %scan3A_143 = arith.addi %scan3A_141, %scan3A_142 : i32
    %scan3A_144 = arith.constant 1 : i32
    scf.for %scan3A_148 = %scan3A_141 to %scan3A_143 step %scan3A_144  : i32 {
      %mul3A_149 = arith.constant 1 : i32
      %mul3A_150 = arith.muli %scan3A_148, %mul3A_149 : i32
      %add3A_151 = arith.constant 0 : i32
      %add3A_152 = arith.addi %add3A_151, %mul3A_150 : i32
      %mul3A_153 = arith.constant 128 : i32
      %mul3A_154 = arith.muli %add3A_152, %mul3A_153 : i32
      %add3A_155 = arith.addi %mul3A_2, %mul3A_154 : i32
      "tpu.region"() ({
        %run_scoped3A = tpu.sem_alloc : memref<!tpu.dma_semaphore, #tpu.memory_space<semaphore_mem>>
        %dma_start3A_159 = arith.constant 0 : i32
        %dma_start3A_160 = tpu.memref_slice %arg22[%add3A_155, %dma_start3A_159] : memref<10240x128xf32, #tpu.memory_space<vmem_shared>> -> memref<128x128xf32, #tpu.memory_space<vmem_shared>>
        %dma_start3A_161 = arith.constant 0 : i32
        %dma_start3A_162 = tpu.memref_slice %arg22[%add3A_155, %dma_start3A_161] : memref<10240x128xf32, #tpu.memory_space<vmem_shared>> -> memref<128x128xf32, #tpu.memory_space<vmem_shared>>
        tpu.enqueue_dma source(%dma_start3A_162 : memref<128x128xf32, #tpu.memory_space<vmem_shared>>) target(%arg18 : memref<128x128xf32, #tpu.memory_space<vmem>>) target_semaphore(%run_scoped3A : memref<!tpu.dma_semaphore, #tpu.memory_space<semaphore_mem>>)
        %dma_wait3A_163 = arith.constant 0 : i32
        %dma_wait3A_164 = tpu.memref_slice %arg22[%add3A_155, %dma_wait3A_163] : memref<10240x128xf32, #tpu.memory_space<vmem_shared>> -> memref<128x128xf32, #tpu.memory_space<vmem_shared>>
        %dma_wait3A_165 = arith.constant 0 : i32
        %dma_wait3A_166 = tpu.memref_slice %arg22[%add3A_155, %dma_wait3A_165] : memref<10240x128xf32, #tpu.memory_space<vmem_shared>> -> memref<128x128xf32, #tpu.memory_space<vmem_shared>>
        tpu.wait_dma2 semaphore(%run_scoped3A : memref<!tpu.dma_semaphore, #tpu.memory_space<semaphore_mem>>) src(%dma_wait3A_166 : memref<128x128xf32, #tpu.memory_space<vmem_shared>>) dst(%arg18 : memref<128x128xf32, #tpu.memory_space<vmem>>)
        tpu.yield
      }) : () -> ()
      %mul3A_156 = arith.constant 128 : i32
      %mul3A_157 = arith.muli %add3A_152, %mul3A_156 : i32
      %add3A_158 = arith.addi %add3A_5, %mul3A_157 : i32
      "tpu.region"() ({
        %run_scoped3A = tpu.sem_alloc : memref<!tpu.dma_semaphore, #tpu.memory_space<semaphore_mem>>
        %dma_start3A_159 = arith.constant 0 : i32
        %dma_start3A_160 = tpu.memref_slice %arg6[%add3A_158, %dma_start3A_159] : memref<20480x128xf32, #tpu.memory_space<hbm>> -> memref<128x128xf32, #tpu.memory_space<hbm>>
        %dma_start3A_161 = arith.constant 0 : i32
        %dma_start3A_162 = tpu.memref_slice %arg6[%add3A_158, %dma_start3A_161] : memref<20480x128xf32, #tpu.memory_space<hbm>> -> memref<128x128xf32, #tpu.memory_space<hbm>>
        tpu.enqueue_dma source(%arg18 : memref<128x128xf32, #tpu.memory_space<vmem>>) target(%dma_start3A_162 : memref<128x128xf32, #tpu.memory_space<hbm>>) target_semaphore(%run_scoped3A : memref<!tpu.dma_semaphore, #tpu.memory_space<semaphore_mem>>)
        %dma_wait3A_163 = arith.constant 0 : i32
        %dma_wait3A_164 = tpu.memref_slice %arg6[%add3A_158, %dma_wait3A_163] : memref<20480x128xf32, #tpu.memory_space<hbm>> -> memref<128x128xf32, #tpu.memory_space<hbm>>
        %dma_wait3A_165 = arith.constant 0 : i32
        %dma_wait3A_166 = tpu.memref_slice %arg6[%add3A_158, %dma_wait3A_165] : memref<20480x128xf32, #tpu.memory_space<hbm>> -> memref<128x128xf32, #tpu.memory_space<hbm>>
        tpu.wait_dma2 semaphore(%run_scoped3A : memref<!tpu.dma_semaphore, #tpu.memory_space<semaphore_mem>>) src(%arg18 : memref<128x128xf32, #tpu.memory_space<vmem>>) dst(%dma_wait3A_166 : memref<128x128xf32, #tpu.memory_space<hbm>>)
        tpu.yield
      }) : () -> ()
    }
    %scan3A_145 = arith.constant 5 : i32
    %mul3A_146 = arith.constant 10240 : i32
    %mul3A_147 = arith.muli %add3A, %mul3A_146 : i32
    "tpu.region"() ({
      %run_scoped3A = tpu.sem_alloc : memref<!tpu.dma_semaphore, #tpu.memory_space<semaphore_mem>>
      %dma_start3A_148 = tpu.memref_slice %arg7[%mul3A_147] : memref<327680xf32, #tpu.memory_space<hbm>> -> memref<10240xf32, #tpu.memory_space<hbm>>
      %dma_start3A_149 = tpu.memref_slice %arg7[%mul3A_147] : memref<327680xf32, #tpu.memory_space<hbm>> -> memref<10240xf32, #tpu.memory_space<hbm>>
      tpu.enqueue_dma source(%arg21 : memref<10240xf32, #tpu.memory_space<vmem>>) target(%dma_start3A_149 : memref<10240xf32, #tpu.memory_space<hbm>>) target_semaphore(%run_scoped3A : memref<!tpu.dma_semaphore, #tpu.memory_space<semaphore_mem>>)
      %dma_wait3A_150 = tpu.memref_slice %arg7[%mul3A_147] : memref<327680xf32, #tpu.memory_space<hbm>> -> memref<10240xf32, #tpu.memory_space<hbm>>
      %dma_wait3A_151 = tpu.memref_slice %arg7[%mul3A_147] : memref<327680xf32, #tpu.memory_space<hbm>> -> memref<10240xf32, #tpu.memory_space<hbm>>
      tpu.wait_dma2 semaphore(%run_scoped3A : memref<!tpu.dma_semaphore, #tpu.memory_space<semaphore_mem>>) src(%arg21 : memref<10240xf32, #tpu.memory_space<vmem>>) dst(%dma_wait3A_151 : memref<10240xf32, #tpu.memory_space<hbm>>)
      tpu.yield
    }) : () -> ()
    return
  }
}

module attributes {stable_mosaic.version = 14 : i64} {
  func.func @_tc_body(%arg0: memref<10000x128xf32, #tpu.memory_space<vmem>>, %arg1: memref<20480x128xf32, #tpu.memory_space<vmem>>, %arg2: memref<327680xf32, #tpu.memory_space<vmem>>, %arg3: memref<1x10000xi32, #tpu.memory_space<vmem>>, %arg4: memref<128x128xf32, #tpu.memory_space<vmem>>, %arg5: memref<128x128xf32, #tpu.memory_space<vmem>>, %arg6: memref<128x10xf32, #tpu.memory_space<vmem>>, %arg7: memref<1x10xf32, #tpu.memory_space<vmem>>, %arg8: memref<128x10xf32, #tpu.memory_space<vmem>>, %arg9: memref<128x128xf32, #tpu.memory_space<vmem>>) attributes {dimension_semantics = [], scalar_prefetch = 0 : i64, scratch_operands = 0 : i64, tpu.core_type = #tpu.core_type<tc>} {
    %get3A = arith.constant 0 : index
    %get3A_0 = arith.constant 0 : index
    %get3A_1 = vector.load %arg1[%get3A, %get3A_0] : memref<20480x128xf32, #tpu.memory_space<vmem>>, vector<10000x128xf32>
    %get3A_2 = arith.constant 10240 : index
    %get3A_3 = arith.constant 0 : index
    %get3A_4 = vector.load %arg1[%get3A_2, %get3A_3] : memref<20480x128xf32, #tpu.memory_space<vmem>>, vector<10000x128xf32>
    %add3A = arith.addf %get3A_1, %get3A_4 : vector<10000x128xf32>
    %broadcast_in_dim3A = arith.constant 1.000000e+00 : f32
    %broadcast_in_dim3A_5 = vector.broadcast %broadcast_in_dim3A : f32 to vector<32x1xf32>
    %get3A_6 = arith.constant 0 : index
    %get3A_7 = vector.load %arg2[%get3A_6] : memref<327680xf32, #tpu.memory_space<vmem>>, vector<327680xf32>
    %reshape3A = vector.shape_cast %get3A_7 : vector<327680xf32> to vector<32x10240xf32>
    %slice3A = vector.extract_strided_slice %reshape3A {offsets = [0, 0], sizes = [32, 10000], strides = [1, 1]} : vector<32x10240xf32> to vector<32x10000xf32>
    %dot_general3A = arith.constant dense<0.000000e+00> : vector<10000x1xf32>
    %dot_general3A_8 = tpu.matmul %slice3A, %broadcast_in_dim3A_5, %dot_general3A {dimension_numbers = #tpu.dot_dimension_numbers<[0], [0], [1], [1], [0, 1, 1, 1], [], []>, transpose_lhs_hint = false} : vector<32x10000xf32>, vector<32x1xf32>, vector<10000x1xf32> -> vector<10000x1xf32>
    %max3A = arith.constant 1.000000e+00 : f32
    %max3A_9 = vector.broadcast %max3A : f32 to vector<10000x1xf32>
    %max3A_10 = arith.maximumf %dot_general3A_8, %max3A_9 : vector<10000x1xf32>
    %div3A = vector.broadcast %max3A_10 : vector<10000x1xf32> to vector<10000x128xf32>
    %div3A_11 = arith.divf %add3A, %div3A : vector<10000x128xf32>
    %get3A_12 = arith.constant 0 : index
    %get3A_13 = arith.constant 0 : index
    %get3A_14 = vector.load %arg0[%get3A_12, %get3A_13] : memref<10000x128xf32, #tpu.memory_space<vmem>>, vector<10000x128xf32>
    %get3A_15 = arith.constant 0 : index
    %get3A_16 = arith.constant 0 : index
    %get3A_17 = vector.load %arg4[%get3A_15, %get3A_16] : memref<128x128xf32, #tpu.memory_space<vmem>>, vector<128x128xf32>
    %dot_general3A_18 = arith.constant dense<0.000000e+00> : vector<10000x128xf32>
    %dot_general3A_19 = tpu.matmul %get3A_14, %get3A_17, %dot_general3A_18 {dimension_numbers = #tpu.dot_dimension_numbers<[1], [0], [0], [1], [0, 0, 1, 1], [], []>, transpose_lhs_hint = false} : vector<10000x128xf32>, vector<128x128xf32>, vector<10000x128xf32> -> vector<10000x128xf32>
    %get3A_20 = arith.constant 0 : index
    %get3A_21 = arith.constant 0 : index
    %get3A_22 = vector.load %arg5[%get3A_20, %get3A_21] : memref<128x128xf32, #tpu.memory_space<vmem>>, vector<128x128xf32>
    %dot_general3A_23 = arith.constant dense<0.000000e+00> : vector<10000x128xf32>
    %dot_general3A_24 = tpu.matmul %div3A_11, %get3A_22, %dot_general3A_23 {dimension_numbers = #tpu.dot_dimension_numbers<[1], [0], [0], [1], [0, 0, 1, 1], [], []>, transpose_lhs_hint = false} : vector<10000x128xf32>, vector<128x128xf32>, vector<10000x128xf32> -> vector<10000x128xf32>
    %add3A_25 = arith.addf %dot_general3A_19, %dot_general3A_24 : vector<10000x128xf32>
    %max3A_26 = arith.constant 0.000000e+00 : f32
    %max3A_27 = vector.broadcast %max3A_26 : f32 to vector<10000x128xf32>
    %max3A_28 = arith.maximumf %add3A_25, %max3A_27 : vector<10000x128xf32>
    %iota3A = tpu.iota {dimensions = array<i32: 0>} : vector<128x10000xi32>
    %get3A_29 = arith.constant 0 : index
    %get3A_30 = arith.constant 0 : index
    %get3A_31 = vector.load %arg3[%get3A_29, %get3A_30] : memref<1x10000xi32, #tpu.memory_space<vmem>>, vector<1x10000xi32>
    %eq3A = vector.broadcast %get3A_31 : vector<1x10000xi32> to vector<128x10000xi32>
    %eq3A_32 = arith.cmpi eq, %eq3A, %iota3A : vector<128x10000xi32>
    %convert_element_type3A = arith.extui %eq3A_32 : vector<128x10000xi1> to vector<128x10000xi32>
    %convert_element_type3A_33 = arith.sitofp %convert_element_type3A : vector<128x10000xi32> to vector<128x10000xf32>
    %dot_general3A_34 = arith.constant dense<0.000000e+00> : vector<128x128xf32>
    %dot_general3A_35 = tpu.matmul %convert_element_type3A_33, %max3A_28, %dot_general3A_34 {dimension_numbers = #tpu.dot_dimension_numbers<[1], [0], [0], [1], [0, 0, 1, 1], [], []>, transpose_lhs_hint = false} : vector<128x10000xf32>, vector<10000x128xf32>, vector<128x128xf32> -> vector<128x128xf32>
    %swap3A = arith.constant 0 : index
    %swap3A_36 = arith.constant 0 : index
    %swap3A_37 = vector.load %arg9[%swap3A, %swap3A_36] : memref<128x128xf32, #tpu.memory_space<vmem>>, vector<128x128xf32>
    tpu.vector_store %arg9[%swap3A, %swap3A_36], %dot_general3A_35 {strides = array<i32>} : memref<128x128xf32, #tpu.memory_space<vmem>>, vector<128x128xf32>,
    %get3A_38 = arith.constant 0 : index
    %get3A_39 = arith.constant 0 : index
    %get3A_40 = vector.load %arg6[%get3A_38, %get3A_39] : memref<128x10xf32, #tpu.memory_space<vmem>>, vector<128x10xf32>
    %dot_general3A_41 = arith.constant dense<0.000000e+00> : vector<128x10xf32>
    %dot_general3A_42 = tpu.matmul %dot_general3A_35, %get3A_40, %dot_general3A_41 {dimension_numbers = #tpu.dot_dimension_numbers<[1], [0], [0], [1], [0, 0, 1, 1], [], []>, transpose_lhs_hint = false} : vector<128x128xf32>, vector<128x10xf32>, vector<128x10xf32> -> vector<128x10xf32>
    %get3A_43 = arith.constant 0 : index
    %get3A_44 = arith.constant 0 : index
    %get3A_45 = vector.load %arg7[%get3A_43, %get3A_44] : memref<1x10xf32, #tpu.memory_space<vmem>>, vector<1x10xf32>
    %add3A_46 = vector.broadcast %get3A_45 : vector<1x10xf32> to vector<128x10xf32>
    %add3A_47 = arith.addf %dot_general3A_42, %add3A_46 : vector<128x10xf32>
    %swap3A_48 = arith.constant 0 : index
    %swap3A_49 = arith.constant 0 : index
    %swap3A_50 = vector.load %arg8[%swap3A_48, %swap3A_49] : memref<128x10xf32, #tpu.memory_space<vmem>>, vector<128x10xf32>
    tpu.vector_store %arg8[%swap3A_48, %swap3A_49], %add3A_47 {strides = array<i32>} : memref<128x10xf32, #tpu.memory_space<vmem>>, vector<128x10xf32>,
    return
  }
}

</mosaic_0001>

<sc_bundles>
// kernel: kernel.4.cloned.1.call-start
scs
__scs_entry_jumppad:
0x0: {  	(pc) =	sbr.rel $0x88, $3  }
0x1: {  	(tag) =	ssettag $0x0;
	lr =	simm.s32 $0x1  }
0x2: {  	[smem:$0x3F9A] =	sst lr;
	_ =	strace $0xD0000000  }
0x3: {  	_ = 	snop  }
0x4: {  	_ = 	snop  }
0x5: {  	_ = 	snop  }
0x6: {  	_ = 	snop  }
0x7: {  	_ = 	snop  }
__scs_overlays_trampoline_lowered:
0x8: {  	[smem:$0x3FA9] =	sst s0  }
0x9: {  	[smem:$0x3FAA] =	sst s1  }
0xa: {  	[smem:$0x3FAB] =	sst s2  }
0xb: {  	[smem:$0x3FAC] =	sst s3  }
0xc: {  	[smem:$0x3FAD] =	sst s4  }
0xd: {  	[smem:$0x3FAE] =	sst s5  }
0xe: {  	[smem:$0x3FAF] =	sst s6  }
0xf: {  	[smem:$0x3FB0] =	sst s7  }
0x10: {  	[smem:$0x3FB1] =	sst s8  }
0x11: {  	[smem:$0x3FB2] =	sst s9;
	s0 =	simm.s32 @!p0 $0x0  }
0x12: {  	s1 =	sld [smem:$0x3F98];
	s0 =	simm.s32 @p0 $0x1  }
0x13: {  	[smem:$0x3FB3] =	sst s0;
	s0 =	simm.s32 @!p1 $0x0  }
0x14: {  	s2 =	sld [smem:$0x3F97];
	s0 =	simm.s32 @p1 $0x1  }
0x15: {  	[smem:$0x3FB4] =	sst s0;
	s0 =	simm.s32 @!p2 $0x0  }
0x16: {  	s3 =	sld [smem:$0x3FDB];
	s0 =	simm.s32 @p2 $0x1  }
0x17: {  	s4 =	simm.s32 $0x1BF5;
	[smem:$0x3FB6] =	sst s0  }
0x18: {  	s0 =	sld [smem:$0x3F99];
	_ =	swait.ge [sflag:s4], $0x0  }
0x19: {  	s7 =	sld [smem:$0x3F9A]  }
0x1a: {  	s8 =	sadd.s32 $0xFFFFE003, lr  }
0x1b: {  	s9 =	sadd.s32 $0xFFFFFEF7, lr;
	s5 =	simm.s32 $0xFFFFFFFF;
	p2 =	slt.u32 s8, $0xFFFFF086  }
0x1c: {  	p1 =	slt.u32 s9, $0xF7A;
	s5 =	simm.s32 @!p2 $0x0  }
0x1d: {  	s5 =	simm.s32 @p1 $0x1;
	p0 =	seq.s32 s7, s2  }
0x1e: {  	s7 =	smul.u32 @!p0 $0xF7A, s2;
	p2 =	seq.s32 @!p0 s5, $0x0  }
0x1f: {  	s9 =	smul.u32 $0xF7A, s1;
	s8 =	simm.s32 @!p0 $0x1BF5;
	p2 =	por !p2, p0  }
0x20: {  	[sflag:s8] =	ssyncset.s32 @!p0 $0xFFFFF086;
	s6 =	sadd.s32 @!p0 s3, s7;
	s7 =	simm.s32 @!p0 $0x108  }
0x21: {  	s3 =	sadd.s32 s3, s9;
	s6 =	sadd.s32 @!p0 $0x88, s6;
	s7 =	simm.s32 @p2 $0x1082  }
0x22: {  	[simem:s7], [sflag:s8] =	dma.local @!p0 [hbm:s6], $0xF7A  }
0x23: {  	s9 =	sor.u32 $0xD0000000, s2;
	s6 =	simm.s32 $0x108;
	_ =	swait.ge @!p0 [sflag:s8], $0x0  }
0x24: {  	s3 =	sadd.s32 $0x88, s3;
	s6 =	simm.s32 @!p1 $0x1082;
	[sflag:s4] =	ssyncset.s32 $0xFFFFF086  }
0x25: {  	[simem:s6], [sflag:s4] =	dma.local [hbm:s3], $0xF7A  }
0x26: {  	[smem:$0x3F9A] =	sst s1;
	(tag) =	ssettag s2;
	_ =	strace s9  }
0x27: {  	s1 =	sld [smem:$0x3FAA]  }
0x28: {  	s2 =	sld [smem:$0x3FAB]  }
0x29: {  	s4 =	sld [smem:$0x3FAD]  }
0x2a: {  	p0 =	seq.s32 s5, $0x0;
	s5 =	sld [smem:$0x3FAE]  }
0x2b: {  	s6 =	sld [smem:$0x3FAF]  }
0x2c: {  	s7 =	sld [smem:$0x3FB0]  }
0x2d: {  	s3 =	simm.s32 $0x108;
	s8 =	sld [smem:$0x3FB1]  }
0x2e: {  	s3 =	simm.s32 @!p0 $0x1082;
	s9 =	sld [smem:$0x3FB2]  }
0x2f: {  	lr =	sadd.s32 s0, s3;
	s0 =	sld [smem:$0x3FA9]  }
0x30: {  	s3 =	sld [smem:$0x3FAC]  }
0x31: {  	[smem:$0x3FB5] =	sst s10  }
0x32: {  	s10 =	sld [smem:$0x3FB3];
	_ =	sdelay $0x3  }
0x33: {  	p0 =	seq.s32 s10, $0x1;
	s10 =	sld [smem:$0x3FB5];
	_ =	sdelay $0x3  }
0x34: {  	[smem:$0x3FB5] =	sst s10  }
0x35: {  	s10 =	sld [smem:$0x3FB4];
	_ =	sdelay $0x3  }
0x36: {  	p1 =	seq.s32 s10, $0x1;
	s10 =	sld [smem:$0x3FB5];
	_ =	sdelay $0x3  }
0x37: {  	[smem:$0x3FB5] =	sst s10  }
0x38: {  	s10 =	sld [smem:$0x3FB6]  }
0x39: {  	_ = 	snop;
	(pc) =	sbr.ind lr, $3  }
0x3a: {  	_ = 	snop  }
0x3b: {  	_ = 	snop  }
0x3c: {  	p2 =	seq.s32 s10, $0x1;
	s10 =	sld [smem:$0x3FB5]  }
0x3d: {  	_ =	shalt  }
0x3e: {  	_ =	shalt  }
0x3f: {  	_ =	shalt  }
0x40: {  	_ =	shalt  }
0x41: {  	_ =	shalt  }
0x42: {  	_ =	shalt  }
0x43: {  	_ =	shalt  }
0x44: {  	_ =	shalt  }
0x45: {  	_ =	shalt  }
0x46: {  	_ =	shalt  }
0x47: {  	_ =	shalt  }
0x48: {  	_ =	shalt  }
0x49: {  	_ =	shalt  }
0x4a: {  	_ =	shalt  }
0x4b: {  	_ =	shalt  }
0x4c: {  	_ =	shalt  }
0x4d: {  	_ =	shalt  }
0x4e: {  	_ =	shalt  }
0x4f: {  	_ =	shalt  }
0x50: {  	_ =	shalt  }
0x51: {  	_ =	shalt  }
0x52: {  	_ =	shalt  }
0x53: {  	_ =	shalt  }
0x54: {  	_ =	shalt  }
0x55: {  	_ =	shalt  }
0x56: {  	_ =	shalt  }
0x57: {  	_ =	shalt  }
0x58: {  	_ =	shalt  }
0x59: {  	_ =	shalt  }
0x5a: {  	_ =	shalt  }
0x5b: {  	_ =	shalt  }
0x5c: {  	_ =	shalt  }
0x5d: {  	_ =	shalt  }
0x5e: {  	_ =	shalt  }
0x5f: {  	_ =	shalt  }
0x60: {  	_ =	shalt  }
0x61: {  	_ =	shalt  }
0x62: {  	_ =	shalt  }
0x63: {  	_ =	shalt  }
0x64: {  	_ =	shalt  }
0x65: {  	_ =	shalt  }
0x66: {  	_ =	shalt  }
0x67: {  	_ =	shalt  }
0x68: {  	_ =	shalt  }
0x69: {  	_ =	shalt  }
0x6a: {  	_ =	shalt  }
0x6b: {  	_ =	shalt  }
0x6c: {  	_ =	shalt  }
0x6d: {  	_ =	shalt  }
0x6e: {  	_ =	shalt  }
0x6f: {  	_ =	shalt  }
0x70: {  	_ =	shalt  }
0x71: {  	_ =	shalt  }
0x72: {  	_ =	shalt  }
0x73: {  	_ =	shalt  }
0x74: {  	_ =	shalt  }
0x75: {  	_ =	shalt  }
0x76: {  	_ =	shalt  }
0x77: {  	_ =	shalt  }
0x78: {  	_ =	shalt  }
0x79: {  	_ =	shalt  }
0x7a: {  	_ =	shalt  }
0x7b: {  	_ =	shalt  }
0x7c: {  	_ =	shalt  }
0x7d: {  	_ =	shalt  }
0x7e: {  	_ =	shalt  }
0x7f: {  	_ =	shalt  }
0x80: {  	_ =	shalt  }
0x81: {  	_ =	shalt  }
0x82: {  	_ =	shalt  }
0x83: {  	_ =	shalt  }
0x84: {  	_ =	shalt  }
0x85: {  	_ =	shalt  }
0x86: {  	_ =	shalt  }
0x87: {  	_ =	shalt  }
.Lfunc_end0:
.L_simem_size_0:
called_computation_lowered:
.L_overlay_start_0:
0x88: {  	s2 =	sld [smem:$0x3FD9]  }
0x89: {  	s3 =	sld [smem:$0x3FFE];
	_ =	sdelay $0x1  }
0x8a: {  	s1 =	srdreg.scid  }
0x8b: {  	s0 =	sand.u32 $0x1, s1  }
0x8c: {  	s14 =	sshll.u32 s0, $0xA;
	s2 =	sadd.s32 s3, s2  }
0x8d: {  	s2 =	sadd.s32 s2, s14  }
0x8e: {  	[smem:$0x3FC1] =	sst s2  }
0x8f: {  	_ = 	snop  }
0x90: {  	s2 =	sld [smem:$0x3FD0];
	_ =	sdelay $0x2  }
0x91: {  	s4 =	simm.s32 $0xA;
	s5 =	simm.s32 $0x10;
	s15 =	sld [smem:$0x3FC9]  }
0x92: {  	[smem:s5], [sflag:s4] =	dma.local [hbm:s2], $0x1  }
0x93: {  	_ =	swait.eq [sflag:s4], $0x1  }
0x94: {  	[sflag:s4] =	ssyncset.done $0x0  }
0x95: {  	[sflag:s4] =	ssyncadd.s32 $0xFFFFFFFF  }
0x96: {  	s16 =	sld [smem:$0x11];
	(tm) =	ssettm $0x1  }
0x97: {  	s17 =	sld [smem:$0x3FFB];
	_ =	sdelay $0x3  }
0x98: {  	_ =	strace s17  }
0x99: {  	s4 =	sld [smem:$0x3FFC];
	_ =	sdelay $0x3  }
0x9a: {  	_ =	strace s4  }
0x9b: {  	s4 =	sld [smem:$0x3FFD];
	_ =	sdelay $0x3  }
0x9c: {  	_ =	strace s4  }
0x9d: {  	_ =	strace $0x8FFFFFFF  }
0x9e: {  	s18 =	sld [smem:$0x3FDB];
	_ =	sdelay $0x1  }
0x9f: {  	s19 =	simm.s32 $_scs_section_size  }
0xa0: {  	s6 =	simm.s32 $_size__tile_overlayer_lowered;
	s7 =	simm.s32 $_tile_overlayer_lowered  }
0xa1: {  	s22 =	simm.s32 $0x1BFF;
	s21 =	sshll.u32 s7, $0x1;
	s4 =	sadd.s32 s19, s18  }
0xa2: {  	s8 =	simm.s32 $0x0;
	s20 =	sshll.u32 s6, $0x1;
	s6 =	sadd.s32 s21, s4  }
0xa3: {  	[timem:s8], [sflag:s22] =	dma.local [hbm:s6], s20  }
0xa4: {  	_ =	swait.ge [sflag:s22], s20  }
0xa5: {  	s5 =	ssub.s32 $0x0, s20;
	[sflag:s22] =	ssyncset.done $0x0  }
0xa6: {  	[sflag:s22] =	ssyncadd.s32 s5;
	_ =	sdelay $0x1  }
0xa7: {  	s23 =	simm.s32 $0x1B8B  }
0xa8: {  	_ =	swait.ge [sflag:s23], $0x1  }
0xa9: {  	[sflag:s23] =	ssyncset.done $0x0  }
0xaa: {  	s25 =	simm.s32 $0x1B8E;
	s24 =	sld [smem:$0x3FFE];
	[sflag:s23] =	ssyncadd.s32 $0xFFFFFFFF  }
0xab: {  	s26 =	simm.s32 $execute0_lowered;
	[smem:$0x3FD2] =	sst s25  }
0xac: {  	s6 =	sshll.u32 s26, $0x1;
	_ =	strace $0x80000046;
	[dreg:$0x1] =	wrdreg $0xFFFFFFFF  }
0xad: {  	s28 =	simm.s32 $_size_execute0_lowered;
	s4 =	sadd.s32 s4, s6;
	[dreg:$0x0] =	wrdreg $0x0  }
0xae: {  	s6 =	sshll.u32 s28, $0x1;
	[dreg:$0x2] =	wrdreg s4  }
0xaf: {  	[dreg:$0x3] =	wrdreg s6  }
0xb0: {  	[dreg:$0x4] =	wrdreg $0xC0  }
0xb1: {  	_ =	task [dreg:s8], $0x5FFFF  }
0xb2: {  	[dreg:$0x1] =	wrdreg $0xFFFFFFFF  }
0xb3: {  	[dreg:$0x0] =	wrdreg $0x60  }
0xb4: {  	[dreg:$0x2] =	wrdreg s24  }
0xb5: {  	[dreg:$0x3] =	wrdreg s15  }
0xb6: {  	[dreg:$0x4] =	wrdreg s16  }
0xb7: {  	[dreg:$0x5] =	wrdreg $0xB5000  }
0xb8: {  	[dreg:$0x6] =	wrdreg $0x9  }
0xb9: {  	_ =	task.clear_ibuf [dreg:s8], $0x7FFFF;
	_ =	strace $0x90000046  }
0xba: {  	s29 =	simm.s32 $0x9;
	_ =	strace $0x80000048  }
0xbb: {  	_ =	swait.ge [sflag:s29], $0x1  }
0xbc: {  	[sflag:s29] =	ssyncadd.s32 $0xFFFFFFFF  }
0xbd: {  	_ =	strace $0x90000048  }
0xbe: {  	_ =	sfence  }
0xbf: {  	s30 =	sld [smem:$0x0];
	_ =	sdelay $0x2  }
0xc0: {  	s31 =	sshll.u32 s1, $0xD;
	s1 =	sshrl.u32 s1, $0x2  }
0xc1: {  	s3 =	sand.u32 $0x4000, s31;
	s1 =	sadd.s32 s1, s30  }
0xc2: {  	s0 =	sor.u32 s3, s0;
	s1 =	sshll.u32 s1, $0x11  }
0xc3: {  	s0 =	sor.u32 s1, s0  }
0xc4: {  	s0 =	sadd.s32 $0x8F2B, s0  }
0xc5: {  	[sflag:s0] =	ssyncadd.remote.s32 $0x1  }
0xc6: {  	_ =	sfence.sel $0xFFFF  }
0xc7: {  	[dreg:$0x0] =	wrdreg $0xFFFFFFFF;
	(pc) =	sbr.abs _section_cstart, $3  }
0xc8: {  	[dreg:$0x1] =	wrdreg $0xFFFFFFFF  }
0xc9: {  	_ =	task.clear_ibuf [dreg:s8], $0x2FFFF;
	_ =	strace $0x9FFFFFFF  }
0xca: {  	(tm) =	ssettm $0x7FFFFFFF  }
0xcb: {  	_ =	shalt  }
tec
execute0_lowered:
.L_overlay_start_1:
0x0: {  	(tag) =	ssettag $0x1  }
0x1: {  	s0 =	rddreg [dreg:$0x0]  }
0x2: {  	s1 =	rddreg [dreg:$0x1];
	s11 =	stileid.u32  }
0x3: {  	s4 =	rddreg [dreg:$0x3];
	s3 =	smul.u32 $0x280, s11  }
0x4: {  	s2 =	srdreg.scid;
	s5 =	simm.s32 $0x0;
	s10 =	smul.u32 $0x50000, s11  }
0x5: {  	s28 =	simm.s32 $0x0;
	s2 =	sand.u32 $0x1, s2;
	s12 =	smul.u32 $0x2710, s11  }
0x6: {  	[smem:$0x7FF] =	sst s5;
	s9 =	sadd.s32 $0x15A00, s0;
	s7 =	smul.u32 $0x2800, s2  }
0x7: {  	s6 =	sshll.u32 s2, $0x4;
	_ =	strace $0x80000047;
	[dreg:$0x5] =	wrdreg s9  }
0x8: {  	s19 =	ssub.s32 $0x2, s2;
	s2 =	smul.u32 $0x27100, s2;
	s8 =	sor.u32 s11, s6  }
0x9: {  	s6 =	sadd.s32 $0x2000, s0;
	s20 =	sshrl.u32 s19, $0x1;
	s21 =	sshrl.u32 s10, $0x2  }
0xa: {  	s10 =	simm.s32 $0x6;
	s11 =	simm.s32 $0x8D00;
	s18 =	smul.u32 $0x500, s8  }
0xb: {  	s3 =	sadd.s32 s3, s7;
	s8 =	smul.u32 $0x2710, s8;
	s7 =	ssub.s32 s19, s20  }
0xc: {  	s9 =	sadd.s32 s21, s4;
	s3 =	sshll.u32 s3, $0x4;
	s7 =	smax.u32 s7, $0x1  }
0xd: {  	s30 =	sadd.s32 $0xC000, s9;
	s31 =	sadd.s32 $0x10000, s9;
	[dreg:$0xd] =	wrdreg s7  }
0xe: {  	s3 =	sadd.s32 s3, s0;
	s0 =	sadd.s32 s18, s0;
	[dreg:$0x1a] =	wrdreg s30  }
0xf: {  	s21 =	sadd.s32 s12, s2;
	[dreg:$0x1b] =	wrdreg s31;
	s0 =	sadd.s32 $0x66000, s0  }
0x10: {  	s12 =	simm.s32 $0x200;
	s13 =	sadd.s32 $0x16000, s3;
	[dreg:$0xc] =	wrdreg s0  }
0x11: {  	s2 =	sadd.s32 $0x280, s21;
	s14 =	sadd.s32 $0x16800, s3;
	[dreg:$0xe] =	wrdreg s13  }
0x12: {  	s19 =	sadd.s32 $0x4E400, s21;
	s15 =	sadd.s32 $0x17000, s3;
	[dreg:$0xf] =	wrdreg s14  }
0x13: {  	s29 =	sadd.s32 $0x8000, s9;
	s16 =	sadd.s32 $0x17800, s3;
	[dreg:$0x10] =	wrdreg s15  }
0x14: {  	s2 =	sshrl.u32 s2, $0x3;
	s17 =	sadd.s32 $0x18000, s3;
	[dreg:$0x11] =	wrdreg s16  }
0x15: {  	s8 =	sshrl.u32 s8, $0x3;
	s20 =	sadd.s32 s2, s6;
	[dreg:$0x12] =	wrdreg s17  }
0x16: {  	s18 =	sadd.s32 $0x4E480, s21;
	s8 =	sadd.s32 s6, s8;
	[dreg:$0x14] =	wrdreg s20  }
0x17: {  	s7 =	simm.s32 $0x500;
	s22 =	sadd.s32 $0x9C40, s8;
	[dreg:$0x6] =	wrdreg s8  }
0x18: {  	s23 =	sadd.s32 $0x10, s8;
	s24 =	sadd.s32 $0x9C50, s8;
	[dreg:$0x7] =	wrdreg s22  }
0x19: {  	s25 =	sadd.s32 $0x20, s8;
	s26 =	sadd.s32 $0x9C60, s8;
	[dreg:$0x8] =	wrdreg s23  }
0x1a: {  	s0 =	sshrl.u32 s18, $0x3;
	s13 =	simm.s32 $0x80;
	[dreg:$0x9] =	wrdreg s24  }
0x1b: {  	s14 =	simm.s32 $0x280;
	s15 =	simm.s32 $0x100;
	[dreg:$0xa] =	wrdreg s25  }
0x1c: {  	s16 =	simm.s32 $0x300;
	[dreg:$0xb] =	wrdreg s26;
	s0 =	sadd.s32 s0, s6  }
0x1d: {  	s17 =	simm.s32 $0x180;
	s23 =	sadd.s32 $0x30, s8;
	[dreg:$0x13] =	wrdreg s0  }
0x1e: {  	s18 =	simm.s32 $0x380;
	s24 =	sadd.s32 $0x9C70, s8;
	[dreg:$0x16] =	wrdreg s23  }
0x1f: {  	s20 =	simm.s32 $0x2;
	s25 =	sadd.s32 $0x4E0, s8;
	[dreg:$0x17] =	wrdreg s24  }
0x20: {  	s22 =	sshrl.u32 s19, $0x3;
	s26 =	sadd.s32 $0xA120, s8;
	[dreg:$0x18] =	wrdreg s25  }
0x21: {  	s19 =	simm.s32 $0x1;
	s0 =	sadd.s32 s22, s6;
	[dreg:$0x19] =	wrdreg s26  }
0x22: {  	s25 =	sadd.s32 $0x4000, s9;
	s22 =	simm.s32 $0x4500;
	s23 =	simm.s32 $0x4  }
0x23: {  	v0 =	vimm.f32 $1.000000000e+00;
	s26 =	simm.s32 $0x3;
	s24 =	simm.s32 $0x5;
	[dreg:$0x15] =	wrdreg s0  }
.LBB2_1:
0x24: {  	s8 =	rddreg [dreg:$0x2]  }
0x25: {  	[tilespmem:s7], [sflag:$0x6] =	stream.linear.gather [hbm4b:s8+s5], $0x4000, $0x38;
	[tilespmem:$0x1F500] =	vst v63  }
0x26: {  	_ =	swait.ge [sflag:s10], $0x4000  }
0x27: {  	[sflag:s10] =	ssyncset.done $0x0  }
0x28: {  	s3 =	rddreg [dreg:$0x5];
	[sflag:s10] =	ssyncadd.s32 $0xFFFFC000  }
0x29: {  	[tilespmem:s11], [sflag:$0x6] =	stream.linear.gather [hbm4b:s3+s5], $0x2800, $0x38;
	[tilespmem:$0x1F500] =	vst v63  }
0x2a: {  	_ =	swait.ge [sflag:s10], $0x2800  }
0x2b: {  	[sflag:s10] =	ssyncset.done $0x0  }
0x2c: {  	[sflag:s10] =	ssyncadd.s32 $0xFFFFD800  }
0x2d: {  	[spmem:s9] =	stream.linear.scatter [tilespmem:s7], [sflag:$0x6], $0x4000, $0x38;
	[tilespmem:$0x1F500] =	vst v63  }
0x2e: {  	_ =	swait.ge [sflag:s10], $0x4000  }
0x2f: {  	[sflag:s10] =	ssyncset.done $0x0  }
0x30: {  	[sflag:s10] =	ssyncadd.s32 $0xFFFFC000  }
0x31: {  	[spmem:s25] =	stream.linear.scatter [tilespmem:s7], [sflag:$0x6], $0x4000, $0x38;
	[tilespmem:$0x1F500] =	vst v63  }
0x32: {  	_ =	swait.ge [sflag:s10], $0x4000  }
0x33: {  	[sflag:s10] =	ssyncset.done $0x0  }
0x34: {  	[sflag:s10] =	ssyncadd.s32 $0xFFFFC000  }
0x35: {  	[spmem:s29] =	stream.linear.scatter [tilespmem:s7], [sflag:$0x6], $0x4000, $0x38;
	[tilespmem:$0x1F500] =	vst v63  }
0x36: {  	_ =	swait.ge [sflag:s10], $0x4000  }
0x37: {  	[sflag:s10] =	ssyncset.done $0x0  }
0x38: {  	[sflag:s10] =	ssyncadd.s32 $0xFFFFC000  }
0x39: {  	[spmem:s30] =	stream.linear.scatter [tilespmem:s7], [sflag:$0x6], $0x4000, $0x38;
	[tilespmem:$0x1F500] =	vst v63  }
0x3a: {  	_ =	swait.ge [sflag:s10], $0x4000  }
0x3b: {  	[sflag:s10] =	ssyncset.done $0x0  }
0x3c: {  	[sflag:s10] =	ssyncadd.s32 $0xFFFFC000  }
0x3d: {  	[spmem:s31] =	stream.linear.scatter [tilespmem:s7], [sflag:$0x6], $0x4000, $0x38;
	[tilespmem:$0x1F500] =	vst v63  }
0x3e: {  	_ =	swait.ge [sflag:s10], $0x4000  }
0x3f: {  	[sflag:s10] =	ssyncset.done $0x0  }
0x40: {  	[sflag:s10] =	ssyncadd.s32 $0xFFFFC000  }
0x41: {  	[bflag:$0x0] =	sbarrier.arrive $0xFFFF  }
0x42: {  	s2 =	smov.u32 s25;
	s25 =	rddreg [dreg:$0x6]  }
0x43: {  	[tilespmem:s5], [sflag:$0x1] =	stream.linear.gather [hbm4b:s25+s5], $0x80, $0x38;
	[tilespmem:$0x1F500] =	vst v63  }
0x44: {  	s31 =	rddreg [dreg:$0x7]  }
0x45: {  	[tilespmem:s12], [sflag:$0x1] =	stream.linear.gather [hbm4b:s31+s5], $0x80, $0x38;
	[tilespmem:$0x1F500] =	vst v63  }
0x46: {  	s0 =	smov.u32 s9;
	s9 =	rddreg [dreg:$0x8]  }
0x47: {  	[tilespmem:s13], [sflag:$0x1] =	stream.linear.gather [hbm4b:s9+s5], $0x80, $0x38;
	[tilespmem:$0x1F500] =	vst v63  }
0x48: {  	s25 =	rddreg [dreg:$0x9]  }
0x49: {  	[tilespmem:s14], [sflag:$0x1] =	stream.linear.gather [hbm4b:s25+s5], $0x80, $0x38;
	[tilespmem:$0x1F500] =	vst v63  }
0x4a: {  	s31 =	rddreg [dreg:$0xa]  }
0x4b: {  	[tilespmem:s15], [sflag:$0x1] =	stream.linear.gather [hbm4b:s31+s5], $0x80, $0x38;
	[tilespmem:$0x1F500] =	vst v63  }
0x4c: {  	s9 =	rddreg [dreg:$0xb]  }
0x4d: {  	[tilespmem:s16], [sflag:$0x1] =	stream.linear.gather [hbm4b:s9+s5], $0x80, $0x38;
	[tilespmem:$0x1F500] =	vst v63  }
0x4e: {  	s25 =	rddreg [dreg:$0x16]  }
0x4f: {  	[tilespmem:s17], [sflag:$0x1] =	stream.linear.gather [hbm4b:s25+s5], $0x80, $0x38;
	[tilespmem:$0x1F500] =	vst v63  }
0x50: {  	s31 =	rddreg [dreg:$0x17]  }
0x51: {  	[tilespmem:s18], [sflag:$0x1] =	stream.linear.gather [hbm4b:s31+s5], $0x80, $0x38;
	[tilespmem:$0x1F500] =	vst v63  }
0x52: {  	_ =	swait.ge [sflag:s19], $0x80  }
0x53: {  	[sflag:s19] =	ssyncset.done $0x0  }
0x54: {  	[sflag:s19] =	ssyncadd.s32 $0xFFFFFF80  }
0x55: {  	_ =	swait.ge [sflag:s19], $0x80  }
0x56: {  	[sflag:s19] =	ssyncset.done $0x0  }
0x57: {  	[sflag:s19] =	ssyncadd.s32 $0xFFFFFF80  }
0x58: {  	_ =	swait.ge [sflag:s19], $0x80  }
0x59: {  	[sflag:s19] =	ssyncset.done $0x0  }
0x5a: {  	[sflag:s19] =	ssyncadd.s32 $0xFFFFFF80  }
0x5b: {  	_ =	swait.ge [sflag:s19], $0x80  }
0x5c: {  	[sflag:s19] =	ssyncset.done $0x0  }
0x5d: {  	[sflag:s19] =	ssyncadd.s32 $0xFFFFFF80  }
0x5e: {  	_ =	swait.ge [sflag:s19], $0x80  }
0x5f: {  	[sflag:s19] =	ssyncset.done $0x0  }
0x60: {  	[sflag:s19] =	ssyncadd.s32 $0xFFFFFF80  }
0x61: {  	_ =	swait.ge [sflag:s19], $0x80  }
0x62: {  	[sflag:s19] =	ssyncset.done $0x0  }
0x63: {  	[sflag:s19] =	ssyncadd.s32 $0xFFFFFF80  }
0x64: {  	_ =	swait.ge [sflag:s19], $0x80  }
0x65: {  	[sflag:s19] =	ssyncset.done $0x0  }
0x66: {  	[sflag:s19] =	ssyncadd.s32 $0xFFFFFF80  }
0x67: {  	_ =	swait.ge [sflag:s19], $0x80  }
0x68: {  	s3 =	smov.u32 s29;
	s29 =	rddreg [dreg:$0x15]  }
0x69: {  	[sflag:s19] =	ssyncset.done $0x0;
	s25 =	rddreg [dreg:$0x14]  }
0x6a: {  	s8 =	simm.s32 $0x0;
	s30 =	rddreg [dreg:$0x13];
	[sflag:s19] =	ssyncadd.s32 $0xFFFFFF80  }
0x6b: {  	[tilespmem:s7], [sflag:$0x2] =	stream.indirect.gather [hbm4b:s1+s13], $0x80, s5, s13, $0xb8;
	[tilespmem:$0x1F500] =	vst v63  }
.LBB2_2:
0x6c: {  	_ =	swait.ge [sflag:s20], $0x4000  }
0x6d: {  	[sflag:s20] =	ssyncset.done $0x0  }
0x6e: {  	[sflag:s20] =	ssyncadd.s32 $0xFFFFC000  }
0x6f: {  	[tilespmem:s22], [sflag:$0x3] =	stream.indirect.gather [hbm4b:s1+s13], $0x80, s13, s13, $0xb8;
	[tilespmem:$0x1F500] =	vst v63  }
0x70: {  	_ = 	snop  }
0x71: {  	[spmem:s4] =	stream.indirect.scatter.add.f32 [tilespmem:s7], [sflag:$0x4], $0x80, s12, s13, $0xb8;
	[tilespmem:$0x1F500] =	vst v63  }
0x72: {  	v1 =	vld [tilespmem:$0x200];
	_ =	sdelay $0x7  }
0x73: {  	[tilespmem:v1+s11+$0x0] =	vst.idx.add.f32.msk $0xffff, v0  }
0x74: {  	v1 =	vld [tilespmem:$0x210];
	_ =	sdelay $0x7  }
0x75: {  	[tilespmem:v1+s11+$0x0] =	vst.idx.add.f32.msk $0xffff, v0  }
0x76: {  	v1 =	vld [tilespmem:$0x220];
	_ =	sdelay $0x7  }
0x77: {  	[tilespmem:v1+s11+$0x0] =	vst.idx.add.f32.msk $0xffff, v0  }
0x78: {  	v1 =	vld [tilespmem:$0x230];
	_ =	sdelay $0x7  }
0x79: {  	[tilespmem:v1+s11+$0x0] =	vst.idx.add.f32.msk $0xffff, v0  }
0x7a: {  	v1 =	vld [tilespmem:$0x240];
	_ =	sdelay $0x7  }
0x7b: {  	[tilespmem:v1+s11+$0x0] =	vst.idx.add.f32.msk $0xffff, v0  }
0x7c: {  	v1 =	vld [tilespmem:$0x250];
	_ =	sdelay $0x7  }
0x7d: {  	[tilespmem:v1+s11+$0x0] =	vst.idx.add.f32.msk $0xffff, v0  }
0x7e: {  	v1 =	vld [tilespmem:$0x260];
	_ =	sdelay $0x7  }
0x7f: {  	[tilespmem:v1+s11+$0x0] =	vst.idx.add.f32.msk $0xffff, v0  }
0x80: {  	v1 =	vld [tilespmem:$0x270];
	_ =	sdelay $0x7  }
0x81: {  	[tilespmem:v1+s11+$0x0] =	vst.idx.add.f32.msk $0xffff, v0  }
0x82: {  	_ =	swait.ge [sflag:s23], $0x4000  }
0x83: {  	[sflag:s23] =	ssyncset.done $0x0  }
0x84: {  	[sflag:s23] =	ssyncadd.s32 $0xFFFFC000  }
0x85: {  	_ =	swait.ge [sflag:s26], $0x4000  }
0x86: {  	[sflag:s26] =	ssyncset.done $0x0  }
0x87: {  	[sflag:s26] =	ssyncadd.s32 $0xFFFFC000  }
0x88: {  	[tilespmem:s7], [sflag:$0x2] =	stream.indirect.gather [hbm4b:s1+s13], $0x80, s15, s13, $0xb8;
	[tilespmem:$0x1F500] =	vst v63  }
0x89: {  	_ = 	snop  }
0x8a: {  	[spmem:s4] =	stream.indirect.scatter.add.f32 [tilespmem:s22], [sflag:$0x5], $0x80, s14, s13, $0xb8;
	[tilespmem:$0x1F500] =	vst v63  }
0x8b: {  	v1 =	vld [tilespmem:$0x280];
	_ =	sdelay $0x7  }
0x8c: {  	[tilespmem:v1+s11+$0x0] =	vst.idx.add.f32.msk $0xffff, v0  }
0x8d: {  	v1 =	vld [tilespmem:$0x290];
	_ =	sdelay $0x7  }
0x8e: {  	[tilespmem:v1+s11+$0x0] =	vst.idx.add.f32.msk $0xffff, v0  }
0x8f: {  	v1 =	vld [tilespmem:$0x2A0];
	_ =	sdelay $0x7  }
0x90: {  	[tilespmem:v1+s11+$0x0] =	vst.idx.add.f32.msk $0xffff, v0  }
0x91: {  	v1 =	vld [tilespmem:$0x2B0];
	_ =	sdelay $0x7  }
0x92: {  	[tilespmem:v1+s11+$0x0] =	vst.idx.add.f32.msk $0xffff, v0  }
0x93: {  	v1 =	vld [tilespmem:$0x2C0];
	_ =	sdelay $0x7  }
0x94: {  	[tilespmem:v1+s11+$0x0] =	vst.idx.add.f32.msk $0xffff, v0  }
0x95: {  	v1 =	vld [tilespmem:$0x2D0];
	_ =	sdelay $0x7  }
0x96: {  	[tilespmem:v1+s11+$0x0] =	vst.idx.add.f32.msk $0xffff, v0  }
0x97: {  	v1 =	vld [tilespmem:$0x2E0];
	_ =	sdelay $0x7  }
0x98: {  	[tilespmem:v1+s11+$0x0] =	vst.idx.add.f32.msk $0xffff, v0  }
0x99: {  	v1 =	vld [tilespmem:$0x2F0];
	_ =	sdelay $0x7  }
0x9a: {  	s9 =	sadd.s32 s8, s21;
	[tilespmem:v1+s11+$0x0] =	vst.idx.add.f32.msk $0xffff, v0  }
0x9b: {  	s31 =	sadd.s32 $0x200, s9;
	_ =	swait.ge [sflag:s24], $0x4000  }
0x9c: {  	s31 =	sshrl.u32 s31, $0x3;
	[sflag:s24] =	ssyncset.done $0x0  }
0x9d: {  	s31 =	sadd.s32 s6, s31;
	[sflag:s24] =	ssyncadd.s32 $0xFFFFC000  }
0x9e: {  	[tilespmem:s5], [sflag:$0x1] =	stream.linear.gather [hbm4b:s31+s5], $0x80, $0x38;
	[tilespmem:$0x1F500] =	vst v63  }
0x9f: {  	_ = 	snop  }
0xa0: {  	[tilespmem:s12], [sflag:$0x1] =	stream.linear.gather [hbm4b:s29+s5], $0x80, $0x38;
	[tilespmem:$0x1F500] =	vst v63  }
0xa1: {  	_ = 	snop  }
0xa2: {  	[tilespmem:s13], [sflag:$0x1] =	stream.linear.gather [hbm4b:s25+s5], $0x80, $0x38;
	[tilespmem:$0x1F500] =	vst v63  }
0xa3: {  	_ = 	snop  }
0xa4: {  	[tilespmem:s14], [sflag:$0x1] =	stream.linear.gather [hbm4b:s30+s5], $0x80, $0x38;
	[tilespmem:$0x1F500] =	vst v63  }
0xa5: {  	_ =	swait.ge [sflag:s20], $0x4000  }
0xa6: {  	[sflag:s20] =	ssyncset.done $0x0  }
0xa7: {  	[sflag:s20] =	ssyncadd.s32 $0xFFFFC000  }
0xa8: {  	[tilespmem:s22], [sflag:$0x3] =	stream.indirect.gather [hbm4b:s1+s13], $0x80, s17, s13, $0xb8;
	[tilespmem:$0x1F500] =	vst v63  }
0xa9: {  	_ = 	snop  }
0xaa: {  	[spmem:s4] =	stream.indirect.scatter.add.f32 [tilespmem:s7], [sflag:$0x4], $0x80, s16, s13, $0xb8;
	[tilespmem:$0x1F500] =	vst v63  }
0xab: {  	v1 =	vld [tilespmem:$0x300];
	_ =	sdelay $0x7  }
0xac: {  	[tilespmem:v1+s11+$0x0] =	vst.idx.add.f32.msk $0xffff, v0  }
0xad: {  	v1 =	vld [tilespmem:$0x310];
	_ =	sdelay $0x7  }
0xae: {  	[tilespmem:v1+s11+$0x0] =	vst.idx.add.f32.msk $0xffff, v0  }
0xaf: {  	v1 =	vld [tilespmem:$0x320];
	_ =	sdelay $0x7  }
0xb0: {  	[tilespmem:v1+s11+$0x0] =	vst.idx.add.f32.msk $0xffff, v0  }
0xb1: {  	v1 =	vld [tilespmem:$0x330];
	_ =	sdelay $0x7  }
0xb2: {  	[tilespmem:v1+s11+$0x0] =	vst.idx.add.f32.msk $0xffff, v0  }
0xb3: {  	v1 =	vld [tilespmem:$0x340];
	_ =	sdelay $0x7  }
0xb4: {  	[tilespmem:v1+s11+$0x0] =	vst.idx.add.f32.msk $0xffff, v0  }
0xb5: {  	v1 =	vld [tilespmem:$0x350];
	_ =	sdelay $0x7  }
0xb6: {  	[tilespmem:v1+s11+$0x0] =	vst.idx.add.f32.msk $0xffff, v0  }
0xb7: {  	v1 =	vld [tilespmem:$0x360];
	_ =	sdelay $0x7  }
0xb8: {  	[tilespmem:v1+s11+$0x0] =	vst.idx.add.f32.msk $0xffff, v0  }
0xb9: {  	v1 =	vld [tilespmem:$0x370];
	_ =	sdelay $0x7  }
0xba: {  	[tilespmem:v1+s11+$0x0] =	vst.idx.add.f32.msk $0xffff, v0  }
0xbb: {  	_ =	swait.ge [sflag:s23], $0x4000  }
0xbc: {  	s31 =	sadd.s32 $0x300, s9;
	[sflag:s23] =	ssyncset.done $0x0  }
0xbd: {  	p0 =	slt.s32 s31, $0x4E180;
	[sflag:s23] =	ssyncadd.s32 $0xFFFFC000  }
0xbe: {  	s31 =	simm.s32 @!p0 $0x4E180;
	_ =	swait.ge [sflag:s26], $0x4000  }
0xbf: {  	s31 =	sshrl.u32 s31, $0x3;
	[sflag:s26] =	ssyncset.done $0x0  }
0xc0: {  	s31 =	sadd.s32 s6, s31;
	[sflag:s26] =	ssyncadd.s32 $0xFFFFC000  }
0xc1: {  	[tilespmem:s15], [sflag:$0x1] =	stream.linear.gather [hbm4b:s31+s5], $0x80, $0x38;
	[tilespmem:$0x1F500] =	vst v63  }
0xc2: {  	s31 =	sadd.s32 $0x9C40, s31  }
0xc3: {  	[tilespmem:s16], [sflag:$0x1] =	stream.linear.gather [hbm4b:s31+s5], $0x80, $0x38;
	[tilespmem:$0x1F500] =	vst v63  }
0xc4: {  	_ = 	snop  }
0xc5: {  	[spmem:s4] =	stream.indirect.scatter.add.f32 [tilespmem:s22], [sflag:$0x5], $0x80, s18, s13, $0xb8;
	[tilespmem:$0x1F500] =	vst v63  }
0xc6: {  	v1 =	vld [tilespmem:$0x380];
	_ =	sdelay $0x7  }
0xc7: {  	[tilespmem:v1+s11+$0x0] =	vst.idx.add.f32.msk $0xffff, v0  }
0xc8: {  	v1 =	vld [tilespmem:$0x390];
	_ =	sdelay $0x7  }
0xc9: {  	[tilespmem:v1+s11+$0x0] =	vst.idx.add.f32.msk $0xffff, v0  }
0xca: {  	v1 =	vld [tilespmem:$0x3A0];
	_ =	sdelay $0x7  }
0xcb: {  	[tilespmem:v1+s11+$0x0] =	vst.idx.add.f32.msk $0xffff, v0  }
0xcc: {  	v1 =	vld [tilespmem:$0x3B0];
	_ =	sdelay $0x7  }
0xcd: {  	[tilespmem:v1+s11+$0x0] =	vst.idx.add.f32.msk $0xffff, v0  }
0xce: {  	v1 =	vld [tilespmem:$0x3C0];
	_ =	sdelay $0x7  }
0xcf: {  	[tilespmem:v1+s11+$0x0] =	vst.idx.add.f32.msk $0xffff, v0  }
0xd0: {  	v1 =	vld [tilespmem:$0x3D0];
	_ =	sdelay $0x7  }
0xd1: {  	[tilespmem:v1+s11+$0x0] =	vst.idx.add.f32.msk $0xffff, v0  }
0xd2: {  	v1 =	vld [tilespmem:$0x3E0];
	_ =	sdelay $0x7  }
0xd3: {  	[tilespmem:v1+s11+$0x0] =	vst.idx.add.f32.msk $0xffff, v0  }
0xd4: {  	v1 =	vld [tilespmem:$0x3F0];
	_ =	sdelay $0x6  }
0xd5: {  	s9 =	sadd.s32 $0x380, s9  }
0xd6: {  	p0 =	slt.s32 s9, $0x4E180;
	[tilespmem:v1+s11+$0x0] =	vst.idx.add.f32.msk $0xffff, v0  }
0xd7: {  	s9 =	simm.s32 @!p0 $0x4E180;
	_ =	swait.ge [sflag:s24], $0x4000  }
0xd8: {  	s9 =	sshrl.u32 s9, $0x3;
	[sflag:s24] =	ssyncset.done $0x0  }
0xd9: {  	s9 =	sadd.s32 s6, s9;
	[sflag:s24] =	ssyncadd.s32 $0xFFFFC000  }
0xda: {  	[tilespmem:s17], [sflag:$0x1] =	stream.linear.gather [hbm4b:s9+s5], $0x80, $0x38;
	[tilespmem:$0x1F500] =	vst v63  }
0xdb: {  	s9 =	sadd.s32 $0x9C40, s9  }
0xdc: {  	[tilespmem:s18], [sflag:$0x1] =	stream.linear.gather [hbm4b:s9+s5], $0x80, $0x38;
	[tilespmem:$0x1F500] =	vst v63  }
0xdd: {  	_ =	swait.ge [sflag:s19], $0x80  }
0xde: {  	[sflag:s19] =	ssyncset.done $0x0  }
0xdf: {  	[sflag:s19] =	ssyncadd.s32 $0xFFFFFF80  }
0xe0: {  	_ =	swait.ge [sflag:s19], $0x80  }
0xe1: {  	[sflag:s19] =	ssyncset.done $0x0  }
0xe2: {  	[sflag:s19] =	ssyncadd.s32 $0xFFFFFF80  }
0xe3: {  	_ =	swait.ge [sflag:s19], $0x80  }
0xe4: {  	[sflag:s19] =	ssyncset.done $0x0  }
0xe5: {  	[sflag:s19] =	ssyncadd.s32 $0xFFFFFF80  }
0xe6: {  	_ =	swait.ge [sflag:s19], $0x80  }
0xe7: {  	[sflag:s19] =	ssyncset.done $0x0  }
0xe8: {  	[sflag:s19] =	ssyncadd.s32 $0xFFFFFF80  }
0xe9: {  	_ =	swait.ge [sflag:s19], $0x80  }
0xea: {  	[sflag:s19] =	ssyncset.done $0x0  }
0xeb: {  	[sflag:s19] =	ssyncadd.s32 $0xFFFFFF80  }
0xec: {  	_ =	swait.ge [sflag:s19], $0x80  }
0xed: {  	[sflag:s19] =	ssyncset.done $0x0  }
0xee: {  	[sflag:s19] =	ssyncadd.s32 $0xFFFFFF80  }
0xef: {  	_ =	swait.ge [sflag:s19], $0x80  }
0xf0: {  	p0 =	sne.s32 s8, $0x2400;
	[sflag:s19] =	ssyncset.done $0x0  }
.Ltmp0:
0xf1: {  	[sflag:s19] =	ssyncadd.s32 $0xFFFFFF80;
	(pc) =	sbr.rel @p0 .LBB2_2-.Ltmp0, $4  }
0xf2: {  	_ =	swait.ge [sflag:s19], $0x80  }
0xf3: {  	s29 =	sadd.s32 $0x40, s29;
	s8 =	sadd.s32 $0x200, s8;
	[sflag:s19] =	ssyncset.done $0x0  }
0xf4: {  	s25 =	sadd.s32 $0x40, s25;
	s30 =	sadd.s32 $0x40, s30;
	[sflag:s19] =	ssyncadd.s32 $0xFFFFFF80  }
0xf5: {  	[tilespmem:s7], [sflag:$0x2] =	stream.indirect.gather [hbm4b:s1+s13], $0x80, s5, s13, $0xb8;
	[tilespmem:$0x1F500] =	vst v63  }
0xf6: {  	s8 =	rddreg [dreg:$0x18];
	s9 =	simm.s32 $0x400  }
0xf7: {  	[tilespmem:s9], [sflag:$0x6] =	stream.linear.gather [hbm4b:s8+s5], $0x10, $0x38;
	[tilespmem:$0x1F500] =	vst v63  }
0xf8: {  	_ =	swait.ge [sflag:s10], $0x10  }
0xf9: {  	[sflag:s10] =	ssyncset.done $0x0  }
0xfa: {  	s25 =	simm.s32 $0x480;
	s8 =	rddreg [dreg:$0x19];
	[sflag:s10] =	ssyncadd.s32 $0xFFFFFFF0  }
0xfb: {  	[tilespmem:s25], [sflag:$0x6] =	stream.linear.gather [hbm4b:s8+s5], $0x10, $0x38;
	[tilespmem:$0x1F500] =	vst v63  }
0xfc: {  	_ =	swait.ge [sflag:s10], $0x10  }
0xfd: {  	[sflag:s10] =	ssyncset.done $0x0  }
0xfe: {  	[sflag:s10] =	ssyncadd.s32 $0xFFFFFFF0  }
0xff: {  	_ =	swait.ge [sflag:s20], $0x4000  }
0x100: {  	[sflag:s20] =	ssyncset.done $0x0  }
0x101: {  	[sflag:s20] =	ssyncadd.s32 $0xFFFFC000  }
0x102: {  	[tilespmem:s22], [sflag:$0x3] =	stream.indirect.gather [hbm4b:s1+s13], $0x80, s13, s13, $0xb8;
	[tilespmem:$0x1F500] =	vst v63  }
0x103: {  	s29 =	simm.s32 $0x8500;
	s8 =	simm.s32 $0x10  }
0x104: {  	[tilespmem:s29], [sflag:$0x1] =	stream.indirect.gather [hbm4b:s1+s8], $0x80, s9, s8, $0xb8;
	[tilespmem:$0x1F500] =	vst v63  }
0x105: {  	_ = 	snop  }
0x106: {  	[spmem:s4] =	stream.indirect.scatter.add.f32 [tilespmem:s7], [sflag:$0x4], $0x80, s12, s13, $0xb8;
	[tilespmem:$0x1F500] =	vst v63  }
0x107: {  	v1 =	vld [tilespmem:$0x200];
	_ =	sdelay $0x7  }
0x108: {  	[tilespmem:v1+s11+$0x0] =	vst.idx.add.f32.msk $0xffff, v0  }
0x109: {  	v1 =	vld [tilespmem:$0x210];
	_ =	sdelay $0x7  }
0x10a: {  	[tilespmem:v1+s11+$0x0] =	vst.idx.add.f32.msk $0xffff, v0  }
0x10b: {  	v1 =	vld [tilespmem:$0x220];
	_ =	sdelay $0x7  }
0x10c: {  	[tilespmem:v1+s11+$0x0] =	vst.idx.add.f32.msk $0xffff, v0  }
0x10d: {  	v1 =	vld [tilespmem:$0x230];
	_ =	sdelay $0x7  }
0x10e: {  	[tilespmem:v1+s11+$0x0] =	vst.idx.add.f32.msk $0xffff, v0  }
0x10f: {  	v1 =	vld [tilespmem:$0x240];
	_ =	sdelay $0x7  }
0x110: {  	[tilespmem:v1+s11+$0x0] =	vst.idx.add.f32.msk $0xffff, v0  }
0x111: {  	v1 =	vld [tilespmem:$0x250];
	_ =	sdelay $0x7  }
0x112: {  	[tilespmem:v1+s11+$0x0] =	vst.idx.add.f32.msk $0xffff, v0  }
0x113: {  	v1 =	vld [tilespmem:$0x260];
	_ =	sdelay $0x7  }
0x114: {  	[tilespmem:v1+s11+$0x0] =	vst.idx.add.f32.msk $0xffff, v0  }
0x115: {  	v1 =	vld [tilespmem:$0x270];
	_ =	sdelay $0x7  }
0x116: {  	[tilespmem:v1+s11+$0x0] =	vst.idx.add.f32.msk $0xffff, v0  }
0x117: {  	_ =	swait.ge [sflag:s23], $0x4000  }
0x118: {  	[sflag:s23] =	ssyncset.done $0x0  }
0x119: {  	[sflag:s23] =	ssyncadd.s32 $0xFFFFC000  }
0x11a: {  	_ =	swait.ge [sflag:s26], $0x4000  }
0x11b: {  	[sflag:s26] =	ssyncset.done $0x0  }
0x11c: {  	[sflag:s26] =	ssyncadd.s32 $0xFFFFC000  }
0x11d: {  	[spmem:s4] =	stream.indirect.scatter.add.f32 [tilespmem:s22], [sflag:$0x5], $0x80, s14, s13, $0xb8;
	[tilespmem:$0x1F500] =	vst v63  }
0x11e: {  	v1 =	vld [tilespmem:$0x280];
	_ =	sdelay $0x7  }
0x11f: {  	[tilespmem:v1+s11+$0x0] =	vst.idx.add.f32.msk $0xffff, v0  }
0x120: {  	v1 =	vld [tilespmem:$0x290];
	_ =	sdelay $0x7  }
0x121: {  	[tilespmem:v1+s11+$0x0] =	vst.idx.add.f32.msk $0xffff, v0  }
0x122: {  	v1 =	vld [tilespmem:$0x2A0];
	_ =	sdelay $0x7  }
0x123: {  	[tilespmem:v1+s11+$0x0] =	vst.idx.add.f32.msk $0xffff, v0  }
0x124: {  	v1 =	vld [tilespmem:$0x2B0];
	_ =	sdelay $0x7  }
0x125: {  	[tilespmem:v1+s11+$0x0] =	vst.idx.add.f32.msk $0xffff, v0  }
0x126: {  	v1 =	vld [tilespmem:$0x2C0];
	_ =	sdelay $0x7  }
0x127: {  	[tilespmem:v1+s11+$0x0] =	vst.idx.add.f32.msk $0xffff, v0  }
0x128: {  	v1 =	vld [tilespmem:$0x2D0];
	_ =	sdelay $0x7  }
0x129: {  	[tilespmem:v1+s11+$0x0] =	vst.idx.add.f32.msk $0xffff, v0  }
0x12a: {  	v1 =	vld [tilespmem:$0x2E0];
	_ =	sdelay $0x7  }
0x12b: {  	[tilespmem:v1+s11+$0x0] =	vst.idx.add.f32.msk $0xffff, v0  }
0x12c: {  	v1 =	vld [tilespmem:$0x2F0];
	_ =	sdelay $0x7  }
0x12d: {  	[tilespmem:v1+s11+$0x0] =	vst.idx.add.f32.msk $0xffff, v0  }
0x12e: {  	_ =	swait.ge [sflag:s24], $0x4000  }
0x12f: {  	[sflag:s24] =	ssyncset.done $0x0  }
0x130: {  	[sflag:s24] =	ssyncadd.s32 $0xFFFFC000  }
0x131: {  	_ =	swait.ge [sflag:s19], $0x800  }
0x132: {  	[sflag:s19] =	ssyncset.done $0x0  }
0x133: {  	[sflag:s19] =	ssyncadd.s32 $0xFFFFF800  }
0x134: {  	[spmem:s4] =	stream.indirect.scatter.add.f32 [tilespmem:s29], [sflag:$0x6], $0x80, s25, s8, $0xb8;
	[tilespmem:$0x1F500] =	vst v63  }
0x135: {  	_ =	swait.ge [sflag:s10], $0x800  }
0x136: {  	[sflag:s10] =	ssyncset.done $0x0  }
0x137: {  	[sflag:s10] =	ssyncadd.s32 $0xFFFFF800  }
0x138: {  	v1 =	vld [tilespmem:$0x480];
	_ =	sdelay $0x7  }
0x139: {  	[tilespmem:v1+s11+$0x0] =	vst.idx.add.f32.msk $0xffff, v0  }
0x13a: {  	[bflag:$0x0] =	sbarrier.arrive $0xFFFF  }
0x13b: {  	[tilespmem:s7], [sflag:$0x6] =	stream.linear.gather [spmem:s0], $0x4000, $0x38;
	[tilespmem:$0x1F500] =	vst v63  }
0x13c: {  	_ =	swait.ge [sflag:s10], $0x4000  }
0x13d: {  	[sflag:s10] =	ssyncset.done $0x0  }
0x13e: {  	s25 =	rddreg [dreg:$0xe];
	[sflag:s10] =	ssyncadd.s32 $0xFFFFC000  }
0x13f: {  	[hbm4b:s25+s5] =	stream.linear.scatter [tilespmem:s7], [sflag:$0x6], $0x4000, $0x38;
	[tilespmem:$0x1F500] =	vst v63  }
0x140: {  	_ =	swait.ge [sflag:s10], $0x4000  }
0x141: {  	[sflag:s10] =	ssyncset.done $0x0  }
0x142: {  	[sflag:s10] =	ssyncadd.s32 $0xFFFFC000  }
0x143: {  	[tilespmem:s7], [sflag:$0x6] =	stream.linear.gather [spmem:s2], $0x4000, $0x38;
	[tilespmem:$0x1F500] =	vst v63  }
0x144: {  	_ =	swait.ge [sflag:s10], $0x4000  }
0x145: {  	[sflag:s10] =	ssyncset.done $0x0  }
0x146: {  	s25 =	smov.u32 s2;
	s2 =	rddreg [dreg:$0xf];
	[sflag:s10] =	ssyncadd.s32 $0xFFFFC000  }
0x147: {  	[hbm4b:s2+s5] =	stream.linear.scatter [tilespmem:s7], [sflag:$0x6], $0x4000, $0x38;
	[tilespmem:$0x1F500] =	vst v63  }
0x148: {  	_ =	swait.ge [sflag:s10], $0x4000  }
0x149: {  	[sflag:s10] =	ssyncset.done $0x0  }
0x14a: {  	[sflag:s10] =	ssyncadd.s32 $0xFFFFC000  }
0x14b: {  	[tilespmem:s7], [sflag:$0x6] =	stream.linear.gather [spmem:s3], $0x4000, $0x38;
	[tilespmem:$0x1F500] =	vst v63  }
0x14c: {  	_ =	swait.ge [sflag:s10], $0x4000  }
0x14d: {  	[sflag:s10] =	ssyncset.done $0x0  }
0x14e: {  	s29 =	smov.u32 s3;
	s3 =	rddreg [dreg:$0x10];
	[sflag:s10] =	ssyncadd.s32 $0xFFFFC000  }
0x14f: {  	[hbm4b:s3+s5] =	stream.linear.scatter [tilespmem:s7], [sflag:$0x6], $0x4000, $0x38;
	[tilespmem:$0x1F500] =	vst v63  }
0x150: {  	_ =	swait.ge [sflag:s10], $0x4000  }
0x151: {  	[sflag:s10] =	ssyncset.done $0x0  }
0x152: {  	s30 =	rddreg [dreg:$0x1a];
	[sflag:s10] =	ssyncadd.s32 $0xFFFFC000  }
0x153: {  	[tilespmem:s7], [sflag:$0x6] =	stream.linear.gather [spmem:s30], $0x4000, $0x38;
	[tilespmem:$0x1F500] =	vst v63  }
0x154: {  	_ =	swait.ge [sflag:s10], $0x4000  }
0x155: {  	[sflag:s10] =	ssyncset.done $0x0  }
0x156: {  	s8 =	rddreg [dreg:$0x11];
	[sflag:s10] =	ssyncadd.s32 $0xFFFFC000  }
0x157: {  	[hbm4b:s8+s5] =	stream.linear.scatter [tilespmem:s7], [sflag:$0x6], $0x4000, $0x38;
	[tilespmem:$0x1F500] =	vst v63  }
0x158: {  	_ =	swait.ge [sflag:s10], $0x4000  }
0x159: {  	[sflag:s10] =	ssyncset.done $0x0  }
0x15a: {  	s31 =	rddreg [dreg:$0x1b];
	[sflag:s10] =	ssyncadd.s32 $0xFFFFC000  }
0x15b: {  	[tilespmem:s7], [sflag:$0x6] =	stream.linear.gather [spmem:s31], $0x4000, $0x38;
	[tilespmem:$0x1F500] =	vst v63  }
0x15c: {  	_ =	swait.ge [sflag:s10], $0x4000  }
0x15d: {  	[sflag:s10] =	ssyncset.done $0x0  }
0x15e: {  	s2 =	rddreg [dreg:$0x12];
	[sflag:s10] =	ssyncadd.s32 $0xFFFFC000  }
0x15f: {  	[hbm4b:s2+s5] =	stream.linear.scatter [tilespmem:s7], [sflag:$0x6], $0x4000, $0x38;
	[tilespmem:$0x1F500] =	vst v63  }
0x160: {  	_ =	swait.ge [sflag:s10], $0x4000  }
0x161: {  	[sflag:s10] =	ssyncset.done $0x0  }
0x162: {  	s3 =	rddreg [dreg:$0xc];
	[sflag:s10] =	ssyncadd.s32 $0xFFFFC000  }
0x163: {  	[hbm4b:s3+s5] =	stream.linear.scatter [tilespmem:s11], [sflag:$0x6], $0x2800, $0x38;
	[tilespmem:$0x1F500] =	vst v63  }
0x164: {  	_ =	swait.ge [sflag:s10], $0x2800  }
0x165: {  	s28 =	sadd.s32 $0x1, s28;
	s8 =	rddreg [dreg:$0xd]  }
0x166: {  	p0 =	sne.s32 s28, s8  }
.Ltmp1:
0x167: {  	_ = 	snop;
	(pc) =	sbr.rel @p0 .LBB2_1-.Ltmp1, $3  }
0x168: {  	_ =	sdelay $0x1  }
0x169: {  	[sflag:s10] =	ssyncset.done $0x0  }
0x16a: {  	s9 =	smov.u32 s0;
	[sflag:s10] =	ssyncadd.s32 $0xFFFFD800  }
0x16b: {  	_ =	sfence.sel $0x180000  }
0x16c: {  	[bflag:$0x0] =	sbarrier.arrive $0xFFFF  }
0x16d: {  	_ =	strace $0x90000047  }
0x16e: {  	s0 =	stileid.u32;
	[bflag:$0x2] =	sbarrier.arrive $0xFFFF  }
0x16f: {  	p0 =	sne.s32 s0, $0x0;
	s0 =	rddreg [dreg:$0x4]  }
0x170: {  	s0 =	sadd.s32 @!p0 $0x100000, s0  }
0x171: {  	[sflag:s0] =	ssyncadd.tile.s32 @!p0 $0x1;
	_ =	shalt  }
.Lfunc_end2:
_tile_overlayer_lowered:
.L_overlay_start_2:
0x172: {  	(tag) =	ssettag $0x2  }
0x173: {  	s0 =	rddreg [dreg:$0x0];
	s2 =	stileid.u32  }
0x174: {  	s1 =	rddreg [dreg:$0x1];
	p0 =	sne.s32 s2, $0x0  }
0x175: {  	s3 =	rddreg [dreg:$0x2];
	[bflag:$0x3] =	sbarrier.arrive $0xFFFF;
	s2 =	simm.s32 @!p0 $0x1C06  }
0x176: {  	[timem:s3], [sflag:s2] =	dma.local @!p0 [hbm:s0], s1  }
0x177: {  	s0 =	simm.s32 @!p0 $0x6  }
0x178: {  	_ =	swait.ge @!p0 [sflag:s0], s1  }
0x179: {  	s1 =	ssub.s32 @!p0 $0x0, s1;
	[sflag:s0] =	ssyncset.done @!p0 $0x0  }
0x17a: {  	[sflag:s0] =	ssyncadd.s32 @!p0 s1  }
0x17b: {  	[bflag:$0x3] =	sbarrier.arrive $0xFFFF  }
0x17c: {  	_ =	shalt  }

</sc_bundles>
